<compile_context>
chip_gen: v7x
topology: tpu7x:2x2x1
jax: 0.10.2.dev20260603
libtpu: 0.0.44.dev20260713+nightly
codegen_flags: <defaults>
</compile_context>

<pallas_src>
import jax
import jax.numpy as jnp
from jax import lax
from jax.experimental import pallas as pl
from jax.experimental.pallas import tpu as pltpu
from jax.experimental.pallas import tpu_sc as plsc

B, S, D, F = 2, 2048, 1024, 4096
N = B * S
T = 256
NPB = N // T + 1
NP = NPB * T
FC = 1024
NC = F // FC

_SC_CORES = 2
_SC_SUBCORES = 16
_NW = _SC_CORES * _SC_SUBCORES
_ROWS_PER_W = N // _NW
_CH = 64

_MR, _MC = 32, 128


def _routing_body(m_ref, dest_ref, meta_ref):
    m = m_ref[...]
    mz = (m == 0).astype(jnp.float32)
    c0 = lax.broadcasted_iota(jnp.int32, (_MC, _MC), 0)
    c1 = lax.broadcasted_iota(jnp.int32, (_MC, _MC), 1)
    incl_tri = (c0 <= c1).astype(jnp.float32)
    ones_c = jnp.ones((_MC, _MC), jnp.float32)
    r0 = lax.broadcasted_iota(jnp.int32, (_MR, _MR), 0)
    r1 = lax.broadcasted_iota(jnp.int32, (_MR, _MR), 1)
    strict_lo = (r1 < r0).astype(jnp.float32)
    in_row = jnp.dot(mz, incl_tri, preferred_element_type=jnp.float32)
    row_sums = jnp.dot(mz, ones_c, preferred_element_type=jnp.float32)
    prev_rows = jnp.dot(strict_lo, row_sums, preferred_element_type=jnp.float32)
    cs0 = (in_row + prev_rows).astype(jnp.int32)
    tpos = (lax.broadcasted_iota(jnp.int32, (_MR, _MC), 0) * _MC
            + lax.broadcasted_iota(jnp.int32, (_MR, _MC), 1))
    cs1 = tpos + 1 - cs0
    n0 = jnp.sum(mz).astype(jnp.int32)
    g0 = (n0 + T - 1) // T
    dest = jnp.where(m == 0, cs0 - 1, g0 * T + cs1 - 1)
    dest_ref[...] = dest
    meta_ref[...] = jnp.full((8, 128), g0, jnp.int32)


def _route(m2d):
    return pl.pallas_call(
        _routing_body,
        out_shape=(
            jax.ShapeDtypeStruct((_MR, _MC), jnp.int32),
            jax.ShapeDtypeStruct((8, 128), jnp.int32),
        ),
    )(m2d)


def _dispatch_body(hid_hbm, dest_hbm, out_hbm, idx_v, rows_v, sem):
    wid = lax.axis_index("s") * _SC_CORES + lax.axis_index("c")
    base = wid * _ROWS_PER_W

    @pl.loop(0, _ROWS_PER_W, step=_CH)
    def _(c):
        pltpu.sync_copy(dest_hbm.at[pl.ds(base + c, _CH)], idx_v)
        pltpu.sync_copy(hid_hbm.at[pl.ds(base + c, _CH)], rows_v)
        pltpu.async_copy(rows_v, out_hbm.at[idx_v], sem).wait()


def _unsort_body(y_hbm, dest_hbm, out_hbm, idx_v, rows_v, sem):
    wid = lax.axis_index("s") * _SC_CORES + lax.axis_index("c")
    base = wid * _ROWS_PER_W

    @pl.loop(0, _ROWS_PER_W, step=_CH)
    def _(c):
        pltpu.sync_copy(dest_hbm.at[pl.ds(base + c, _CH)], idx_v)
        pltpu.async_copy(y_hbm.at[idx_v], rows_v, sem).wait()
        pltpu.sync_copy(rows_v, out_hbm.at[pl.ds(base + c, _CH)])


def _sc_mesh():
    return plsc.VectorSubcoreMesh(core_axis_name="c", subcore_axis_name="s")


def _dispatch(hid, dest):
    k = pl.kernel(
        _dispatch_body,
        out_type=jax.ShapeDtypeStruct((NP, D), jnp.float32),
        mesh=_sc_mesh(),
        scratch_types=[
            pltpu.VMEM((_CH,), jnp.int32),
            pltpu.VMEM((_CH, D), jnp.float32),
            pltpu.SemaphoreType.DMA,
        ],
    )
    return k(hid, dest)


def _unsort(y_sorted, dest):
    k = pl.kernel(
        _unsort_body,
        out_type=jax.ShapeDtypeStruct((N, D), jnp.float32),
        mesh=_sc_mesh(),
        scratch_types=[
            pltpu.VMEM((_CH,), jnp.int32),
            pltpu.VMEM((_CH, D), jnp.float32),
            pltpu.SemaphoreType.DMA,
        ],
    )
    return k(y_sorted, dest)


def _load_expert(wg_hbm, wu_hbm, wd_hbm, wgs, wus, wds, landc, landr, sems):
    jobs = []
    for c in range(NC):
        jobs.append((wg_hbm.at[:, pl.ds(c * FC, FC)], landc, wgs, c, True))
        jobs.append((wu_hbm.at[:, pl.ds(c * FC, FC)], landc, wus, c, True))
        jobs.append((wd_hbm.at[pl.ds(c * FC, FC), :], landr, wds, c, False))

    def start(k):
        src, land, _, _, _ = jobs[k]
        pltpu.make_async_copy(src, land.at[k % 2], sems.at[k % 2]).start()

    def finish(k):
        src, land, dst, c, cols = jobs[k]
        pltpu.make_async_copy(src, land.at[k % 2], sems.at[k % 2]).wait()
        blk = land[k % 2].astype(jnp.bfloat16)
        if cols:
            dst[:, c * FC:(c + 1) * FC] = blk
        else:
            dst[c * FC:(c + 1) * FC, :] = blk

    start(0)
    for k in range(len(jobs)):
        if k + 1 < len(jobs):
            start(k + 1)
        finish(k)


def _mlp_body(g0_ref, x_ref, wg0, wu0, wd0, wg1, wu1, wd1, o_ref,
              wgs, wus, wds, landc, landr, sems):
    i = pl.program_id(0)
    g0 = g0_ref[0]

    @pl.when((i == 0) & (g0 > 0))
    def _():
        _load_expert(wg0, wu0, wd0, wgs, wus, wds, landc, landr, sems)

    @pl.when((i == g0) | ((i == 0) & (g0 == 0)))
    def _():
        _load_expert(wg1, wu1, wd1, wgs, wus, wds, landc, landr, sems)

    xb = x_ref[...].astype(jnp.bfloat16)
    g = jnp.dot(xb, wgs[...], preferred_element_type=jnp.float32)
    u = jnp.dot(xb, wus[...], preferred_element_type=jnp.float32)
    z = (jax.nn.silu(g) * u).astype(jnp.bfloat16)
    o_ref[...] = jnp.dot(z, wds[...], preferred_element_type=jnp.float32)


def _mlp(g0_arr, x_sorted, Wg0, Wu0, Wd0, Wg1, Wu1, Wd1):
    grid_spec = pltpu.PrefetchScalarGridSpec(
        num_scalar_prefetch=1,
        grid=(NPB,),
        in_specs=[
            pl.BlockSpec((T, D), lambda i, s: (i, 0)),
            pl.BlockSpec(memory_space=pl.ANY),
            pl.BlockSpec(memory_space=pl.ANY),
            pl.BlockSpec(memory_space=pl.ANY),
            pl.BlockSpec(memory_space=pl.ANY),
            pl.BlockSpec(memory_space=pl.ANY),
            pl.BlockSpec(memory_space=pl.ANY),
        ],
        out_specs=pl.BlockSpec((T, D), lambda i, s: (i, 0)),
        scratch_shapes=[
            pltpu.VMEM((D, F), jnp.bfloat16),
            pltpu.VMEM((D, F), jnp.bfloat16),
            pltpu.VMEM((F, D), jnp.bfloat16),
            pltpu.VMEM((2, D, FC), jnp.float32),
            pltpu.VMEM((2, FC, D), jnp.float32),
            pltpu.SemaphoreType.DMA((2,)),
        ],
    )
    return pl.pallas_call(
        _mlp_body,
        grid_spec=grid_spec,
        out_shape=jax.ShapeDtypeStruct((NP, D), jnp.float32),
        compiler_params=pltpu.CompilerParams(
            dimension_semantics=("arbitrary",),
            vmem_limit_bytes=100 * 1024 * 1024,
        ),
    )(g0_arr, x_sorted, Wg0, Wu0, Wd0, Wg1, Wu1, Wd1)


def kernel(hidden_states, routing_mask, Wg0, Wu0, Wd0, Wg1, Wu1, Wd1):
    hid = hidden_states.reshape(N, D)
    m2d = routing_mask.reshape(_MR, _MC)
    dest2d, meta = _route(m2d)
    dest = dest2d.reshape(N)
    g0_arr = meta[0, 0:1]

    x_sorted = _dispatch(hid, dest)
    y_sorted = _mlp(g0_arr, x_sorted, Wg0, Wu0, Wd0, Wg1, Wu1, Wd1)

    out = _unsort(y_sorted, dest)
    return out.reshape(B, S, D)

# --- scband reference (transcript-rebuilt; emitter-appended) ---
"""Pipeline reference for scband-mo-elayer-4045859193681 (READ-ONLY COPY).

The authoritative reference and input builder live on the scoring server;
editing this copy changes nothing except your own understanding.
"""

import jax, jax.numpy as jnp
import numpy as np

B, S, D_MODEL, D_FF = 2, 2048, 1024, 4096


def setup_inputs(seed: int = 0) -> dict:
    key = jax.random.key(seed)
    ks = jax.random.split(key, 9)
    inp = {}
    inp['hidden_states'] = jax.random.normal(ks[0], (B, S, D_MODEL), dtype=jnp.float32)
    inp['routing_mask'] = jax.random.randint(ks[1], (B, S), 0, 2, dtype=jnp.int32)
    # Expert 0 (vision) MistralMLP weights: gate, up, down (no bias)
    inp['Wg0'] = jax.random.normal(ks[2], (D_MODEL, D_FF), dtype=jnp.float32) * 0.02
    inp['Wu0'] = jax.random.normal(ks[3], (D_MODEL, D_FF), dtype=jnp.float32) * 0.02
    inp['Wd0'] = jax.random.normal(ks[4], (D_FF, D_MODEL), dtype=jnp.float32) * 0.02
    # Expert 1 (text) MistralMLP weights
    inp['Wg1'] = jax.random.normal(ks[5], (D_MODEL, D_FF), dtype=jnp.float32) * 0.02
    inp['Wu1'] = jax.random.normal(ks[6], (D_MODEL, D_FF), dtype=jnp.float32) * 0.02
    inp['Wd1'] = jax.random.normal(ks[7], (D_FF, D_MODEL), dtype=jnp.float32) * 0.02
    return inp


def _mistral_mlp(x, Wg, Wu, Wd):
    # down_proj(silu(gate_proj(x)) * up_proj(x))
    return (jax.nn.silu(x @ Wg) * (x @ Wu)) @ Wd


def reference(hidden_states, routing_mask, Wg0, Wu0, Wd0, Wg1, Wu1, Wd1):
    vision_mask = (routing_mask == 0)[..., None]
    text_mask = (routing_mask == 1)[..., None]
    vision_tokens = jnp.where(vision_mask, hidden_states, 0.0)
    text_tokens = jnp.where(text_mask, hidden_states, 0.0)
    final_output = jnp.zeros_like(hidden_states)
    final_output = final_output + _mistral_mlp(vision_tokens, Wg0, Wu0, Wd0)
    final_output = final_output + _mistral_mlp(text_tokens, Wg1, Wu1, Wd1)
    return final_output

if __name__ == "__main__":
    import jax
    _d = setup_inputs()
    print(jax.jit(kernel)(*tuple(_d.values())))

</pallas_src>

<mosaic_0001>
#map = affine_map<(d0, d1) -> (0, 0)>
#map1 = affine_map<(d0, d1) -> (0)>
module attributes {stable_mosaic.version = 14 : i64} {
  func.func @_dispatch_body(%arg0: i32, %arg1: i32, %arg2: memref<4096x1024xf32, #tpu.memory_space<hbm>>, %arg3: memref<4096xi32, #tpu.memory_space<hbm>>, %arg4: memref<4352x1024xf32, #tpu.memory_space<hbm>>, %arg5: memref<64xi32, #tpu.memory_space<vmem>>, %arg6: memref<64x1024xf32, #tpu.memory_space<vmem>>, %arg7: memref<!tpu.dma_semaphore, #tpu.memory_space<semaphore_mem>>) attributes {dimension_semantics = [#tpu.dimension_semantics<core_parallel>, #tpu.dimension_semantics<subcore_parallel>], iteration_bounds = array<i64: 2, 16>, scalar_prefetch = 0 : i64, scratch_operands = 3 : i64, tpu.core_type = #tpu.core_type<sc_vector_subcore>, window_params = [{transform_indices = #map}, {transform_indices = #map1}, {transform_indices = #map}]} {
    %mul3A = arith.constant 2 : i32
    %mul3A_0 = arith.muli %arg1, %mul3A : i32
    %add3A = arith.addi %mul3A_0, %arg0 : i32
    %mul3A_1 = arith.constant 128 : i32
    %mul3A_2 = arith.muli %add3A, %mul3A_1 : i32
    %scan3A = arith.constant 0 : i32
    %scan3A_3 = arith.constant 2 : i32
    %scan3A_4 = arith.addi %scan3A, %scan3A_3 : i32
    %scan3A_5 = arith.constant 1 : i32
    scf.for %scan3A_7 = %scan3A to %scan3A_4 step %scan3A_5  : i32 {
      %mul3A_8 = arith.constant 64 : i32
      %mul3A_9 = arith.muli %scan3A_7, %mul3A_8 : i32
      %add3A_10 = arith.constant 0 : i32
      %add3A_11 = arith.addi %add3A_10, %mul3A_9 : i32
      %add3A_12 = arith.addi %mul3A_2, %add3A_11 : i32
      "tpu.region"() ({
        %run_scoped3A = tpu.sem_alloc : memref<!tpu.dma_semaphore, #tpu.memory_space<semaphore_mem>>
        %dma_start3A_18 = tpu.memref_slice %arg3[%add3A_12] : memref<4096xi32, #tpu.memory_space<hbm>> -> memref<64xi32, #tpu.memory_space<hbm>>
        %dma_start3A_19 = tpu.memref_slice %arg3[%add3A_12] : memref<4096xi32, #tpu.memory_space<hbm>> -> memref<64xi32, #tpu.memory_space<hbm>>
        tpu.enqueue_dma source(%dma_start3A_19 : memref<64xi32, #tpu.memory_space<hbm>>) target(%arg5 : memref<64xi32, #tpu.memory_space<vmem>>) target_semaphore(%run_scoped3A : memref<!tpu.dma_semaphore, #tpu.memory_space<semaphore_mem>>)
        %dma_wait3A_20 = tpu.memref_slice %arg3[%add3A_12] : memref<4096xi32, #tpu.memory_space<hbm>> -> memref<64xi32, #tpu.memory_space<hbm>>
        %dma_wait3A_21 = tpu.memref_slice %arg3[%add3A_12] : memref<4096xi32, #tpu.memory_space<hbm>> -> memref<64xi32, #tpu.memory_space<hbm>>
        tpu.wait_dma2 semaphore(%run_scoped3A : memref<!tpu.dma_semaphore, #tpu.memory_space<semaphore_mem>>) src(%dma_wait3A_21 : memref<64xi32, #tpu.memory_space<hbm>>) dst(%arg5 : memref<64xi32, #tpu.memory_space<vmem>>)
        tpu.yield
      }) : () -> ()
      %add3A_13 = arith.addi %mul3A_2, %add3A_11 : i32
      "tpu.region"() ({
        %run_scoped3A = tpu.sem_alloc : memref<!tpu.dma_semaphore, #tpu.memory_space<semaphore_mem>>
        %dma_start3A_18 = arith.constant 0 : i32
        %dma_start3A_19 = tpu.memref_slice %arg2[%add3A_13, %dma_start3A_18] : memref<4096x1024xf32, #tpu.memory_space<hbm>> -> memref<64x1024xf32, #tpu.memory_space<hbm>>
        %dma_start3A_20 = arith.constant 0 : i32
        %dma_start3A_21 = tpu.memref_slice %arg2[%add3A_13, %dma_start3A_20] : memref<4096x1024xf32, #tpu.memory_space<hbm>> -> memref<64x1024xf32, #tpu.memory_space<hbm>>
        tpu.enqueue_dma source(%dma_start3A_21 : memref<64x1024xf32, #tpu.memory_space<hbm>>) target(%arg6 : memref<64x1024xf32, #tpu.memory_space<vmem>>) target_semaphore(%run_scoped3A : memref<!tpu.dma_semaphore, #tpu.memory_space<semaphore_mem>>)
        %dma_wait3A_22 = arith.constant 0 : i32
        %dma_wait3A_23 = tpu.memref_slice %arg2[%add3A_13, %dma_wait3A_22] : memref<4096x1024xf32, #tpu.memory_space<hbm>> -> memref<64x1024xf32, #tpu.memory_space<hbm>>
        %dma_wait3A_24 = arith.constant 0 : i32
        %dma_wait3A_25 = tpu.memref_slice %arg2[%add3A_13, %dma_wait3A_24] : memref<4096x1024xf32, #tpu.memory_space<hbm>> -> memref<64x1024xf32, #tpu.memory_space<hbm>>
        tpu.wait_dma2 semaphore(%run_scoped3A : memref<!tpu.dma_semaphore, #tpu.memory_space<semaphore_mem>>) src(%dma_wait3A_25 : memref<64x1024xf32, #tpu.memory_space<hbm>>) dst(%arg6 : memref<64x1024xf32, #tpu.memory_space<vmem>>)
        tpu.yield
      }) : () -> ()
      %dma_start3A = arith.constant 0 : i32
      %dma_start3A_14 = arith.constant 0 : i32
      %dma_start3A_15 = tpu.memref_slice %arg4[%dma_start3A, %dma_start3A_14] : memref<4352x1024xf32, #tpu.memory_space<hbm>> -> memref<4352x1024xf32, #tpu.memory_space<hbm>>
      tpu.enqueue_indirect_dma source(%arg6 : memref<64x1024xf32, #tpu.memory_space<vmem>>) target(%dma_start3A_15 : memref<4352x1024xf32, #tpu.memory_space<hbm>>) offsets(%arg5 : memref<64xi32, #tpu.memory_space<vmem>>) semaphore(%arg7 : memref<!tpu.dma_semaphore, #tpu.memory_space<semaphore_mem>>)
      %dma_wait3A = arith.constant 0 : i32
      %dma_wait3A_16 = arith.constant 0 : i32
      %dma_wait3A_17 = tpu.memref_slice %arg4[%dma_wait3A, %dma_wait3A_16] : memref<4352x1024xf32, #tpu.memory_space<hbm>> -> memref<4352x1024xf32, #tpu.memory_space<hbm>>
      tpu.wait_indirect_dma semaphore(%arg7 : memref<!tpu.dma_semaphore, #tpu.memory_space<semaphore_mem>>) src(%arg6 : memref<64x1024xf32, #tpu.memory_space<vmem>>) dst(%dma_wait3A_17 : memref<4352x1024xf32, #tpu.memory_space<hbm>>)
    }
    %scan3A_6 = arith.constant 2 : i32
    return
  }
}

#map = affine_map<(d0, d1) -> (0, 0)>
#map1 = affine_map<(d0, d1) -> (0)>
module attributes {stable_mosaic.version = 14 : i64} {
  func.func @_unsort_body(%arg0: i32, %arg1: i32, %arg2: memref<4352x1024xf32, #tpu.memory_space<hbm>>, %arg3: memref<4096xi32, #tpu.memory_space<hbm>>, %arg4: memref<4096x1024xf32, #tpu.memory_space<hbm>>, %arg5: memref<64xi32, #tpu.memory_space<vmem>>, %arg6: memref<64x1024xf32, #tpu.memory_space<vmem>>, %arg7: memref<!tpu.dma_semaphore, #tpu.memory_space<semaphore_mem>>) attributes {dimension_semantics = [#tpu.dimension_semantics<core_parallel>, #tpu.dimension_semantics<subcore_parallel>], iteration_bounds = array<i64: 2, 16>, scalar_prefetch = 0 : i64, scratch_operands = 3 : i64, tpu.core_type = #tpu.core_type<sc_vector_subcore>, window_params = [{transform_indices = #map}, {transform_indices = #map1}, {transform_indices = #map}]} {
    %mul3A = arith.constant 2 : i32
    %mul3A_0 = arith.muli %arg1, %mul3A : i32
    %add3A = arith.addi %mul3A_0, %arg0 : i32
    %mul3A_1 = arith.constant 128 : i32
    %mul3A_2 = arith.muli %add3A, %mul3A_1 : i32
    %scan3A = arith.constant 0 : i32
    %scan3A_3 = arith.constant 2 : i32
    %scan3A_4 = arith.addi %scan3A, %scan3A_3 : i32
    %scan3A_5 = arith.constant 1 : i32
    scf.for %scan3A_7 = %scan3A to %scan3A_4 step %scan3A_5  : i32 {
      %mul3A_8 = arith.constant 64 : i32
      %mul3A_9 = arith.muli %scan3A_7, %mul3A_8 : i32
      %add3A_10 = arith.constant 0 : i32
      %add3A_11 = arith.addi %add3A_10, %mul3A_9 : i32
      %add3A_12 = arith.addi %mul3A_2, %add3A_11 : i32
      "tpu.region"() ({
        %run_scoped3A = tpu.sem_alloc : memref<!tpu.dma_semaphore, #tpu.memory_space<semaphore_mem>>
        %dma_start3A_18 = tpu.memref_slice %arg3[%add3A_12] : memref<4096xi32, #tpu.memory_space<hbm>> -> memref<64xi32, #tpu.memory_space<hbm>>
        %dma_start3A_19 = tpu.memref_slice %arg3[%add3A_12] : memref<4096xi32, #tpu.memory_space<hbm>> -> memref<64xi32, #tpu.memory_space<hbm>>
        tpu.enqueue_dma source(%dma_start3A_19 : memref<64xi32, #tpu.memory_space<hbm>>) target(%arg5 : memref<64xi32, #tpu.memory_space<vmem>>) target_semaphore(%run_scoped3A : memref<!tpu.dma_semaphore, #tpu.memory_space<semaphore_mem>>)
        %dma_wait3A_20 = tpu.memref_slice %arg3[%add3A_12] : memref<4096xi32, #tpu.memory_space<hbm>> -> memref<64xi32, #tpu.memory_space<hbm>>
        %dma_wait3A_21 = tpu.memref_slice %arg3[%add3A_12] : memref<4096xi32, #tpu.memory_space<hbm>> -> memref<64xi32, #tpu.memory_space<hbm>>
        tpu.wait_dma2 semaphore(%run_scoped3A : memref<!tpu.dma_semaphore, #tpu.memory_space<semaphore_mem>>) src(%dma_wait3A_21 : memref<64xi32, #tpu.memory_space<hbm>>) dst(%arg5 : memref<64xi32, #tpu.memory_space<vmem>>)
        tpu.yield
      }) : () -> ()
      %dma_start3A = arith.constant 0 : i32
      %dma_start3A_13 = arith.constant 0 : i32
      %dma_start3A_14 = tpu.memref_slice %arg2[%dma_start3A, %dma_start3A_13] : memref<4352x1024xf32, #tpu.memory_space<hbm>> -> memref<4352x1024xf32, #tpu.memory_space<hbm>>
      tpu.enqueue_indirect_dma source(%dma_start3A_14 : memref<4352x1024xf32, #tpu.memory_space<hbm>>) target(%arg6 : memref<64x1024xf32, #tpu.memory_space<vmem>>) offsets(%arg5 : memref<64xi32, #tpu.memory_space<vmem>>) semaphore(%arg7 : memref<!tpu.dma_semaphore, #tpu.memory_space<semaphore_mem>>)
      %dma_wait3A = arith.constant 0 : i32
      %dma_wait3A_15 = arith.constant 0 : i32
      %dma_wait3A_16 = tpu.memref_slice %arg2[%dma_wait3A, %dma_wait3A_15] : memref<4352x1024xf32, #tpu.memory_space<hbm>> -> memref<4352x1024xf32, #tpu.memory_space<hbm>>
      tpu.wait_indirect_dma semaphore(%arg7 : memref<!tpu.dma_semaphore, #tpu.memory_space<semaphore_mem>>) src(%dma_wait3A_16 : memref<4352x1024xf32, #tpu.memory_space<hbm>>) dst(%arg6 : memref<64x1024xf32, #tpu.memory_space<vmem>>)
      %add3A_17 = arith.addi %mul3A_2, %add3A_11 : i32
      "tpu.region"() ({
        %run_scoped3A = tpu.sem_alloc : memref<!tpu.dma_semaphore, #tpu.memory_space<semaphore_mem>>
        %dma_start3A_18 = arith.constant 0 : i32
        %dma_start3A_19 = tpu.memref_slice %arg4[%add3A_17, %dma_start3A_18] : memref<4096x1024xf32, #tpu.memory_space<hbm>> -> memref<64x1024xf32, #tpu.memory_space<hbm>>
        %dma_start3A_20 = arith.constant 0 : i32
        %dma_start3A_21 = tpu.memref_slice %arg4[%add3A_17, %dma_start3A_20] : memref<4096x1024xf32, #tpu.memory_space<hbm>> -> memref<64x1024xf32, #tpu.memory_space<hbm>>
        tpu.enqueue_dma source(%arg6 : memref<64x1024xf32, #tpu.memory_space<vmem>>) target(%dma_start3A_21 : memref<64x1024xf32, #tpu.memory_space<hbm>>) target_semaphore(%run_scoped3A : memref<!tpu.dma_semaphore, #tpu.memory_space<semaphore_mem>>)
        %dma_wait3A_22 = arith.constant 0 : i32
        %dma_wait3A_23 = tpu.memref_slice %arg4[%add3A_17, %dma_wait3A_22] : memref<4096x1024xf32, #tpu.memory_space<hbm>> -> memref<64x1024xf32, #tpu.memory_space<hbm>>
        %dma_wait3A_24 = arith.constant 0 : i32
        %dma_wait3A_25 = tpu.memref_slice %arg4[%add3A_17, %dma_wait3A_24] : memref<4096x1024xf32, #tpu.memory_space<hbm>> -> memref<64x1024xf32, #tpu.memory_space<hbm>>
        tpu.wait_dma2 semaphore(%run_scoped3A : memref<!tpu.dma_semaphore, #tpu.memory_space<semaphore_mem>>) src(%arg6 : memref<64x1024xf32, #tpu.memory_space<vmem>>) dst(%dma_wait3A_25 : memref<64x1024xf32, #tpu.memory_space<hbm>>)
        tpu.yield
      }) : () -> ()
    }
    %scan3A_6 = arith.constant 2 : i32
    return
  }
}

module attributes {stable_mosaic.version = 14 : i64} {
  func.func @_routing_body(%arg0: memref<32x128xi32, #tpu.memory_space<vmem>>, %arg1: memref<32x128xi32, #tpu.memory_space<vmem>>, %arg2: memref<8x128xi32, #tpu.memory_space<vmem>>) attributes {dimension_semantics = [], scalar_prefetch = 0 : i64, scratch_operands = 0 : i64, tpu.core_type = #tpu.core_type<tc>} {
    %get3A = arith.constant 0 : index
    %get3A_0 = arith.constant 0 : index
    %get3A_1 = vector.load %arg0[%get3A, %get3A_0] : memref<32x128xi32, #tpu.memory_space<vmem>>, vector<32x128xi32>
    %eq3A = arith.constant 0 : i32
    %eq3A_2 = vector.broadcast %eq3A : i32 to vector<32x128xi32>
    %eq3A_3 = arith.cmpi eq, %get3A_1, %eq3A_2 : vector<32x128xi32>
    %convert_element_type3A = arith.extui %eq3A_3 : vector<32x128xi1> to vector<32x128xi32>
    %convert_element_type3A_4 = arith.sitofp %convert_element_type3A : vector<32x128xi32> to vector<32x128xf32>
    %iota3A = tpu.iota {dimensions = array<i32: 0>} : vector<128x128xi32>
    %iota3A_5 = tpu.iota {dimensions = array<i32: 1>} : vector<128x128xi32>
    %le3A = arith.cmpi sle, %iota3A, %iota3A_5 : vector<128x128xi32>
    %convert_element_type3A_6 = arith.extui %le3A : vector<128x128xi1> to vector<128x128xi32>
    %convert_element_type3A_7 = arith.sitofp %convert_element_type3A_6 : vector<128x128xi32> to vector<128x128xf32>
    %broadcast_in_dim3A = arith.constant 1.000000e+00 : f32
    %broadcast_in_dim3A_8 = vector.broadcast %broadcast_in_dim3A : f32 to vector<128x128xf32>
    %iota3A_9 = tpu.iota {dimensions = array<i32: 0>} : vector<32x32xi32>
    %iota3A_10 = tpu.iota {dimensions = array<i32: 1>} : vector<32x32xi32>
    %lt3A = arith.cmpi slt, %iota3A_10, %iota3A_9 : vector<32x32xi32>
    %convert_element_type3A_11 = arith.extui %lt3A : vector<32x32xi1> to vector<32x32xi32>
    %convert_element_type3A_12 = arith.sitofp %convert_element_type3A_11 : vector<32x32xi32> to vector<32x32xf32>
    %dot_general3A = arith.constant dense<0.000000e+00> : vector<32x128xf32>
    %dot_general3A_13 = tpu.matmul %convert_element_type3A_4, %convert_element_type3A_7, %dot_general3A {dimension_numbers = #tpu.dot_dimension_numbers<[1], [0], [0], [1], [0, 0, 1, 1], [], []>, transpose_lhs_hint = false} : vector<32x128xf32>, vector<128x128xf32>, vector<32x128xf32> -> vector<32x128xf32>
    %dot_general3A_14 = arith.constant dense<0.000000e+00> : vector<32x128xf32>
    %dot_general3A_15 = tpu.matmul %convert_element_type3A_4, %broadcast_in_dim3A_8, %dot_general3A_14 {dimension_numbers = #tpu.dot_dimension_numbers<[1], [0], [0], [1], [0, 0, 1, 1], [], []>, transpose_lhs_hint = false} : vector<32x128xf32>, vector<128x128xf32>, vector<32x128xf32> -> vector<32x128xf32>
    %dot_general3A_16 = arith.constant dense<0.000000e+00> : vector<32x128xf32>
    %dot_general3A_17 = tpu.matmul %convert_element_type3A_12, %dot_general3A_15, %dot_general3A_16 {dimension_numbers = #tpu.dot_dimension_numbers<[1], [0], [0], [1], [0, 0, 1, 1], [], []>, transpose_lhs_hint = false} : vector<32x32xf32>, vector<32x128xf32>, vector<32x128xf32> -> vector<32x128xf32>
    %add3A = arith.addf %dot_general3A_13, %dot_general3A_17 : vector<32x128xf32>
    %convert_element_type3A_18 = arith.fptosi %add3A : vector<32x128xf32> to vector<32x128xi32>
    %iota3A_19 = tpu.iota {dimensions = array<i32: 0>} : vector<32x128xi32>
    %mul3A = arith.constant 128 : i32
    %mul3A_20 = vector.broadcast %mul3A : i32 to vector<32x128xi32>
    %mul3A_21 = arith.muli %iota3A_19, %mul3A_20 : vector<32x128xi32>
    %iota3A_22 = tpu.iota {dimensions = array<i32: 1>} : vector<32x128xi32>
    %add3A_23 = arith.addi %mul3A_21, %iota3A_22 : vector<32x128xi32>
    %add3A_24 = arith.constant 1 : i32
    %add3A_25 = vector.broadcast %add3A_24 : i32 to vector<32x128xi32>
    %add3A_26 = arith.addi %add3A_23, %add3A_25 : vector<32x128xi32>
    %sub3A = arith.subi %add3A_26, %convert_element_type3A_18 : vector<32x128xi32>
    %reduce_sum3A = vector.shape_cast %convert_element_type3A_4 : vector<32x128xf32> to vector<1x32x128xf32>
    %reduce_sum3A_27 = arith.constant dense<0.000000e+00> : vector<1xf32>
    %reduce_sum3A_28 = vector.multi_reduction <add>, %reduce_sum3A, %reduce_sum3A_27 [1, 2] : vector<1x32x128xf32> to vector<1xf32>
    %reduce_sum3A_29 = vector.shape_cast %reduce_sum3A_28 : vector<1xf32> to vector<1x1x1xf32>
    %reduce_sum3A_30 = vector.extract %reduce_sum3A_29[0, 0, 0] : f32 from vector<1x1x1xf32>
    %convert_element_type3A_31 = arith.fptosi %reduce_sum3A_30 : f32 to i32
    %add3A_32 = arith.constant 256 : i32
    %add3A_33 = arith.addi %convert_element_type3A_31, %add3A_32 : i32
    %sub3A_34 = arith.constant 1 : i32
    %sub3A_35 = arith.subi %add3A_33, %sub3A_34 : i32
    %jit3A = arith.constant 256 : i32
    %div3A = arith.divsi %sub3A_35, %jit3A : i32
    %sign3A = arith.constant 0 : i32
    %sign3A_36 = arith.cmpi sgt, %sub3A_35, %sign3A : i32
    %sign3A_37 = arith.extui %sign3A_36 : i1 to i32
    %sign3A_38 = arith.constant 0 : i32
    %sign3A_39 = arith.cmpi slt, %sub3A_35, %sign3A_38 : i32
    %sign3A_40 = arith.extui %sign3A_39 : i1 to i32
    %sign3A_41 = arith.subi %sign3A_37, %sign3A_40 : i32
    %sign3A_42 = arith.constant 0 : i32
    %sign3A_43 = arith.cmpi sgt, %jit3A, %sign3A_42 : i32
    %sign3A_44 = arith.extui %sign3A_43 : i1 to i32
    %sign3A_45 = arith.constant 0 : i32
    %sign3A_46 = arith.cmpi slt, %jit3A, %sign3A_45 : i32
    %sign3A_47 = arith.extui %sign3A_46 : i1 to i32
    %sign3A_48 = arith.subi %sign3A_44, %sign3A_47 : i32
    %ne3A = arith.cmpi ne, %sign3A_41, %sign3A_48 : i32
    %rem3A = arith.remsi %sub3A_35, %jit3A : i32
    %ne3A_49 = arith.constant 0 : i32
    %ne3A_50 = arith.cmpi ne, %rem3A, %ne3A_49 : i32
    %and3A = arith.andi %ne3A, %ne3A_50 : i1
    %sub3A_51 = arith.constant 1 : i32
    %sub3A_52 = arith.subi %div3A, %sub3A_51 : i32
    %select_n3A = arith.select %and3A, %sub3A_52, %div3A : i32
    %eq3A_53 = arith.constant 0 : i32
    %eq3A_54 = vector.broadcast %eq3A_53 : i32 to vector<32x128xi32>
    %eq3A_55 = arith.cmpi eq, %get3A_1, %eq3A_54 : vector<32x128xi32>
    %sub3A_56 = arith.constant 1 : i32
    %sub3A_57 = vector.broadcast %sub3A_56 : i32 to vector<32x128xi32>
    %sub3A_58 = arith.subi %convert_element_type3A_18, %sub3A_57 : vector<32x128xi32>
    %mul3A_59 = arith.constant 256 : i32
    %mul3A_60 = arith.muli %select_n3A, %mul3A_59 : i32
    %add3A_61 = vector.broadcast %mul3A_60 : i32 to vector<32x128xi32>
    %add3A_62 = arith.addi %add3A_61, %sub3A : vector<32x128xi32>
    %sub3A_63 = arith.constant 1 : i32
    %sub3A_64 = vector.broadcast %sub3A_63 : i32 to vector<32x128xi32>
    %sub3A_65 = arith.subi %add3A_62, %sub3A_64 : vector<32x128xi32>
    %select_n3A_66 = arith.select %eq3A_55, %sub3A_58, %sub3A_65 : vector<32x128xi1>, vector<32x128xi32>
    %swap3A = arith.constant 0 : index
    %swap3A_67 = arith.constant 0 : index
    %swap3A_68 = vector.load %arg1[%swap3A, %swap3A_67] : memref<32x128xi32, #tpu.memory_space<vmem>>, vector<32x128xi32>
    tpu.vector_store %arg1[%swap3A, %swap3A_67], %select_n3A_66 {strides = array<i32>} : memref<32x128xi32, #tpu.memory_space<vmem>>, vector<32x128xi32>,
    %broadcast_in_dim3A_69 = vector.broadcast %select_n3A : i32 to vector<8x128xi32>
    %swap3A_70 = arith.constant 0 : index
    %swap3A_71 = arith.constant 0 : index
    %swap3A_72 = vector.load %arg2[%swap3A_70, %swap3A_71] : memref<8x128xi32, #tpu.memory_space<vmem>>, vector<8x128xi32>
    tpu.vector_store %arg2[%swap3A_70, %swap3A_71], %broadcast_in_dim3A_69 {strides = array<i32>} : memref<8x128xi32, #tpu.memory_space<vmem>>, vector<8x128xi32>,
    return
  }
}

module attributes {stable_mosaic.version = 14 : i64} {
  func.func @_mlp_body(%arg0: i32, %arg1: memref<1xi32, #tpu.memory_space<smem>>, %arg2: memref<256x1024xf32, #tpu.memory_space<vmem>>, %arg3: memref<1024x4096xf32, #tpu.memory_space<any>>, %arg4: memref<1024x4096xf32, #tpu.memory_space<any>>, %arg5: memref<4096x1024xf32, #tpu.memory_space<any>>, %arg6: memref<1024x4096xf32, #tpu.memory_space<any>>, %arg7: memref<1024x4096xf32, #tpu.memory_space<any>>, %arg8: memref<4096x1024xf32, #tpu.memory_space<any>>, %arg9: memref<256x1024xf32, #tpu.memory_space<vmem>>, %arg10: memref<1024x4096xbf16, #tpu.memory_space<vmem>>, %arg11: memref<1024x4096xbf16, #tpu.memory_space<vmem>>, %arg12: memref<4096x1024xbf16, #tpu.memory_space<vmem>>, %arg13: memref<2x1024x1024xf32, #tpu.memory_space<vmem>>, %arg14: memref<2x1024x1024xf32, #tpu.memory_space<vmem>>, %arg15: memref<2x!tpu.dma_semaphore, #tpu.memory_space<semaphore_mem>>) attributes {dimension_semantics = [#tpu.dimension_semantics<arbitrary>], iteration_bounds = array<i64: 17>, scalar_prefetch = 1 : i64, scratch_operands = 6 : i64, tpu.core_type = #tpu.core_type<tc>, window_params = [{transform_indices = @transform_0, window_bounds = array<i64: 256, 1024>}, {}, {}, {}, {}, {}, {}, {transform_indices = @transform_7, window_bounds = array<i64: 256, 1024>}]} {
    %get3A = arith.constant 0 : index
    %get3A_0 = memref.load %arg1[%get3A] : memref<1xi32, #tpu.memory_space<smem>>
    %eq3A = arith.constant 0 : i32
    %eq3A_1 = arith.cmpi eq, %arg0, %eq3A : i32
    %gt3A = arith.constant 0 : i32
    %gt3A_2 = arith.cmpi sgt, %get3A_0, %gt3A : i32
    %and3A = arith.andi %eq3A_1, %gt3A_2 : i1
    %convert_element_type3A = arith.extui %and3A : i1 to i32
    %cond3A = arith.constant 0 : i32
    %cond3A_3 = arith.cmpi ne, %convert_element_type3A, %cond3A : i32
    scf.if %cond3A_3 {
      %dma_start3A = arith.constant 0 : i32
      %dma_start3A_40 = arith.constant 0 : i32
      %dma_start3A_41 = tpu.memref_slice %arg15[%dma_start3A_40] : memref<2x!tpu.dma_semaphore, #tpu.memory_space<semaphore_mem>> -> memref<1x!tpu.dma_semaphore, #tpu.memory_space<semaphore_mem>>
      %dma_start3A_42 = tpu.memref_squeeze %dma_start3A_41 : memref<1x!tpu.dma_semaphore, #tpu.memory_space<semaphore_mem>> -> memref<!tpu.dma_semaphore, #tpu.memory_space<semaphore_mem>>
      %dma_start3A_43 = arith.constant 0 : i32
      %dma_start3A_44 = arith.constant 0 : i32
      %dma_start3A_45 = tpu.memref_slice %arg13[%dma_start3A, %dma_start3A_43, %dma_start3A_44] : memref<2x1024x1024xf32, #tpu.memory_space<vmem>> -> memref<1x1024x1024xf32, #tpu.memory_space<vmem>>
      %dma_start3A_46 = tpu.memref_squeeze %dma_start3A_45 : memref<1x1024x1024xf32, #tpu.memory_space<vmem>> -> memref<1024x1024xf32, #tpu.memory_space<vmem>>
      %dma_start3A_47 = arith.constant 0 : i32
      %dma_start3A_48 = arith.constant 0 : i32
      %dma_start3A_49 = tpu.memref_slice %arg3[%dma_start3A_47, %dma_start3A_48] : memref<1024x4096xf32, #tpu.memory_space<any>> -> memref<1024x1024xf32, #tpu.memory_space<any>>
      tpu.enqueue_dma source(%dma_start3A_49 : memref<1024x1024xf32, #tpu.memory_space<any>>) target(%dma_start3A_46 : memref<1024x1024xf32, #tpu.memory_space<vmem>>) target_semaphore(%dma_start3A_42 : memref<!tpu.dma_semaphore, #tpu.memory_space<semaphore_mem>>)
      %dma_start3A_50 = arith.constant 1 : i32
      %dma_start3A_51 = arith.constant 1 : i32
      %dma_start3A_52 = tpu.memref_slice %arg15[%dma_start3A_51] : memref<2x!tpu.dma_semaphore, #tpu.memory_space<semaphore_mem>> -> memref<1x!tpu.dma_semaphore, #tpu.memory_space<semaphore_mem>>
      %dma_start3A_53 = tpu.memref_squeeze %dma_start3A_52 : memref<1x!tpu.dma_semaphore, #tpu.memory_space<semaphore_mem>> -> memref<!tpu.dma_semaphore, #tpu.memory_space<semaphore_mem>>
      %dma_start3A_54 = arith.constant 0 : i32
      %dma_start3A_55 = arith.constant 0 : i32
      %dma_start3A_56 = tpu.memref_slice %arg13[%dma_start3A_50, %dma_start3A_54, %dma_start3A_55] : memref<2x1024x1024xf32, #tpu.memory_space<vmem>> -> memref<1x1024x1024xf32, #tpu.memory_space<vmem>>
      %dma_start3A_57 = tpu.memref_squeeze %dma_start3A_56 : memref<1x1024x1024xf32, #tpu.memory_space<vmem>> -> memref<1024x1024xf32, #tpu.memory_space<vmem>>
      %dma_start3A_58 = arith.constant 0 : i32
      %dma_start3A_59 = arith.constant 0 : i32
      %dma_start3A_60 = tpu.memref_slice %arg4[%dma_start3A_58, %dma_start3A_59] : memref<1024x4096xf32, #tpu.memory_space<any>> -> memref<1024x1024xf32, #tpu.memory_space<any>>
      tpu.enqueue_dma source(%dma_start3A_60 : memref<1024x1024xf32, #tpu.memory_space<any>>) target(%dma_start3A_57 : memref<1024x1024xf32, #tpu.memory_space<vmem>>) target_semaphore(%dma_start3A_53 : memref<!tpu.dma_semaphore, #tpu.memory_space<semaphore_mem>>)
      %dma_wait3A = arith.constant 0 : i32
      %dma_wait3A_61 = arith.constant 0 : i32
      %dma_wait3A_62 = tpu.memref_slice %arg15[%dma_wait3A_61] : memref<2x!tpu.dma_semaphore, #tpu.memory_space<semaphore_mem>> -> memref<1x!tpu.dma_semaphore, #tpu.memory_space<semaphore_mem>>
      %dma_wait3A_63 = tpu.memref_squeeze %dma_wait3A_62 : memref<1x!tpu.dma_semaphore, #tpu.memory_space<semaphore_mem>> -> memref<!tpu.dma_semaphore, #tpu.memory_space<semaphore_mem>>
      %dma_wait3A_64 = arith.constant 0 : i32
      %dma_wait3A_65 = arith.constant 0 : i32
      %dma_wait3A_66 = tpu.memref_slice %arg13[%dma_wait3A, %dma_wait3A_64, %dma_wait3A_65] : memref<2x1024x1024xf32, #tpu.memory_space<vmem>> -> memref<1x1024x1024xf32, #tpu.memory_space<vmem>>
      %dma_wait3A_67 = tpu.memref_squeeze %dma_wait3A_66 : memref<1x1024x1024xf32, #tpu.memory_space<vmem>> -> memref<1024x1024xf32, #tpu.memory_space<vmem>>
      %dma_wait3A_68 = arith.constant 0 : i32
      %dma_wait3A_69 = arith.constant 0 : i32
      %dma_wait3A_70 = tpu.memref_slice %arg3[%dma_wait3A_68, %dma_wait3A_69] : memref<1024x4096xf32, #tpu.memory_space<any>> -> memref<1024x1024xf32, #tpu.memory_space<any>>
      tpu.wait_dma2 semaphore(%dma_wait3A_63 : memref<!tpu.dma_semaphore, #tpu.memory_space<semaphore_mem>>) src(%dma_wait3A_70 : memref<1024x1024xf32, #tpu.memory_space<any>>) dst(%dma_wait3A_67 : memref<1024x1024xf32, #tpu.memory_space<vmem>>)
      %get3A_71 = arith.constant 0 : index
      %get3A_72 = arith.constant 0 : index
      %get3A_73 = arith.constant 0 : index
      %get3A_74 = vector.load %arg13[%get3A_71, %get3A_72, %get3A_73] : memref<2x1024x1024xf32, #tpu.memory_space<vmem>>, vector<1x1024x1024xf32>
      %get3A_75 = vector.shape_cast %get3A_74 : vector<1x1024x1024xf32> to vector<1024x1024xf32>
      %convert_element_type3A_76 = arith.truncf %get3A_75 : vector<1024x1024xf32> to vector<1024x1024xbf16>
      %swap3A_77 = arith.constant 0 : index
      %swap3A_78 = arith.constant 0 : index
      %swap3A_79 = vector.load %arg10[%swap3A_77, %swap3A_78] : memref<1024x4096xbf16, #tpu.memory_space<vmem>>, vector<1024x1024xbf16>
      tpu.vector_store %arg10[%swap3A_77, %swap3A_78], %convert_element_type3A_76 {strides = array<i32>} : memref<1024x4096xbf16, #tpu.memory_space<vmem>>, vector<1024x1024xbf16>,
      %dma_start3A_80 = arith.constant 0 : i32
      %dma_start3A_81 = arith.constant 0 : i32
      %dma_start3A_82 = tpu.memref_slice %arg15[%dma_start3A_81] : memref<2x!tpu.dma_semaphore, #tpu.memory_space<semaphore_mem>> -> memref<1x!tpu.dma_semaphore, #tpu.memory_space<semaphore_mem>>
      %dma_start3A_83 = tpu.memref_squeeze %dma_start3A_82 : memref<1x!tpu.dma_semaphore, #tpu.memory_space<semaphore_mem>> -> memref<!tpu.dma_semaphore, #tpu.memory_space<semaphore_mem>>
      %dma_start3A_84 = arith.constant 0 : i32
      %dma_start3A_85 = arith.constant 0 : i32
      %dma_start3A_86 = tpu.memref_slice %arg14[%dma_start3A_80, %dma_start3A_84, %dma_start3A_85] : memref<2x1024x1024xf32, #tpu.memory_space<vmem>> -> memref<1x1024x1024xf32, #tpu.memory_space<vmem>>
      %dma_start3A_87 = tpu.memref_squeeze %dma_start3A_86 : memref<1x1024x1024xf32, #tpu.memory_space<vmem>> -> memref<1024x1024xf32, #tpu.memory_space<vmem>>
      %dma_start3A_88 = arith.constant 0 : i32
      %dma_start3A_89 = arith.constant 0 : i32
      %dma_start3A_90 = tpu.memref_slice %arg5[%dma_start3A_88, %dma_start3A_89] : memref<4096x1024xf32, #tpu.memory_space<any>> -> memref<1024x1024xf32, #tpu.memory_space<any>>
      tpu.enqueue_dma source(%dma_start3A_90 : memref<1024x1024xf32, #tpu.memory_space<any>>) target(%dma_start3A_87 : memref<1024x1024xf32, #tpu.memory_space<vmem>>) target_semaphore(%dma_start3A_83 : memref<!tpu.dma_semaphore, #tpu.memory_space<semaphore_mem>>)
      %dma_wait3A_91 = arith.constant 1 : i32
      %dma_wait3A_92 = arith.constant 1 : i32
      %dma_wait3A_93 = tpu.memref_slice %arg15[%dma_wait3A_92] : memref<2x!tpu.dma_semaphore, #tpu.memory_space<semaphore_mem>> -> memref<1x!tpu.dma_semaphore, #tpu.memory_space<semaphore_mem>>
      %dma_wait3A_94 = tpu.memref_squeeze %dma_wait3A_93 : memref<1x!tpu.dma_semaphore, #tpu.memory_space<semaphore_mem>> -> memref<!tpu.dma_semaphore, #tpu.memory_space<semaphore_mem>>
      %dma_wait3A_95 = arith.constant 0 : i32
      %dma_wait3A_96 = arith.constant 0 : i32
      %dma_wait3A_97 = tpu.memref_slice %arg13[%dma_wait3A_91, %dma_wait3A_95, %dma_wait3A_96] : memref<2x1024x1024xf32, #tpu.memory_space<vmem>> -> memref<1x1024x1024xf32, #tpu.memory_space<vmem>>
      %dma_wait3A_98 = tpu.memref_squeeze %dma_wait3A_97 : memref<1x1024x1024xf32, #tpu.memory_space<vmem>> -> memref<1024x1024xf32, #tpu.memory_space<vmem>>
      %dma_wait3A_99 = arith.constant 0 : i32
      %dma_wait3A_100 = arith.constant 0 : i32
      %dma_wait3A_101 = tpu.memref_slice %arg4[%dma_wait3A_99, %dma_wait3A_100] : memref<1024x4096xf32, #tpu.memory_space<any>> -> memref<1024x1024xf32, #tpu.memory_space<any>>
      tpu.wait_dma2 semaphore(%dma_wait3A_94 : memref<!tpu.dma_semaphore, #tpu.memory_space<semaphore_mem>>) src(%dma_wait3A_101 : memref<1024x1024xf32, #tpu.memory_space<any>>) dst(%dma_wait3A_98 : memref<1024x1024xf32, #tpu.memory_space<vmem>>)
      %get3A_102 = arith.constant 1 : index
      %get3A_103 = arith.constant 0 : index
      %get3A_104 = arith.constant 0 : index
      %get3A_105 = vector.load %arg13[%get3A_102, %get3A_103, %get3A_104] : memref<2x1024x1024xf32, #tpu.memory_space<vmem>>, vector<1x1024x1024xf32>
      %get3A_106 = vector.shape_cast %get3A_105 : vector<1x1024x1024xf32> to vector<1024x1024xf32>
      %convert_element_type3A_107 = arith.truncf %get3A_106 : vector<1024x1024xf32> to vector<1024x1024xbf16>
      %swap3A_108 = arith.constant 0 : index
      %swap3A_109 = arith.constant 0 : index
      %swap3A_110 = vector.load %arg11[%swap3A_108, %swap3A_109] : memref<1024x4096xbf16, #tpu.memory_space<vmem>>, vector<1024x1024xbf16>
      tpu.vector_store %arg11[%swap3A_108, %swap3A_109], %convert_element_type3A_107 {strides = array<i32>} : memref<1024x4096xbf16, #tpu.memory_space<vmem>>, vector<1024x1024xbf16>,
      %dma_start3A_111 = arith.constant 1 : i32
      %dma_start3A_112 = arith.constant 1 : i32
      %dma_start3A_113 = tpu.memref_slice %arg15[%dma_start3A_112] : memref<2x!tpu.dma_semaphore, #tpu.memory_space<semaphore_mem>> -> memref<1x!tpu.dma_semaphore, #tpu.memory_space<semaphore_mem>>
      %dma_start3A_114 = tpu.memref_squeeze %dma_start3A_113 : memref<1x!tpu.dma_semaphore, #tpu.memory_space<semaphore_mem>> -> memref<!tpu.dma_semaphore, #tpu.memory_space<semaphore_mem>>
      %dma_start3A_115 = arith.constant 0 : i32
      %dma_start3A_116 = arith.constant 0 : i32
      %dma_start3A_117 = tpu.memref_slice %arg13[%dma_start3A_111, %dma_start3A_115, %dma_start3A_116] : memref<2x1024x1024xf32, #tpu.memory_space<vmem>> -> memref<1x1024x1024xf32, #tpu.memory_space<vmem>>
      %dma_start3A_118 = tpu.memref_squeeze %dma_start3A_117 : memref<1x1024x1024xf32, #tpu.memory_space<vmem>> -> memref<1024x1024xf32, #tpu.memory_space<vmem>>
      %dma_start3A_119 = arith.constant 0 : i32
      %dma_start3A_120 = arith.constant 1024 : i32
      %dma_start3A_121 = tpu.memref_slice %arg3[%dma_start3A_119, %dma_start3A_120] : memref<1024x4096xf32, #tpu.memory_space<any>> -> memref<1024x1024xf32, #tpu.memory_space<any>>
      tpu.enqueue_dma source(%dma_start3A_121 : memref<1024x1024xf32, #tpu.memory_space<any>>) target(%dma_start3A_118 : memref<1024x1024xf32, #tpu.memory_space<vmem>>) target_semaphore(%dma_start3A_114 : memref<!tpu.dma_semaphore, #tpu.memory_space<semaphore_mem>>)
      %dma_wait3A_122 = arith.constant 0 : i32
      %dma_wait3A_123 = arith.constant 0 : i32
      %dma_wait3A_124 = tpu.memref_slice %arg15[%dma_wait3A_123] : memref<2x!tpu.dma_semaphore, #tpu.memory_space<semaphore_mem>> -> memref<1x!tpu.dma_semaphore, #tpu.memory_space<semaphore_mem>>
      %dma_wait3A_125 = tpu.memref_squeeze %dma_wait3A_124 : memref<1x!tpu.dma_semaphore, #tpu.memory_space<semaphore_mem>> -> memref<!tpu.dma_semaphore, #tpu.memory_space<semaphore_mem>>
      %dma_wait3A_126 = arith.constant 0 : i32
      %dma_wait3A_127 = arith.constant 0 : i32
      %dma_wait3A_128 = tpu.memref_slice %arg14[%dma_wait3A_122, %dma_wait3A_126, %dma_wait3A_127] : memref<2x1024x1024xf32, #tpu.memory_space<vmem>> -> memref<1x1024x1024xf32, #tpu.memory_space<vmem>>
      %dma_wait3A_129 = tpu.memref_squeeze %dma_wait3A_128 : memref<1x1024x1024xf32, #tpu.memory_space<vmem>> -> memref<1024x1024xf32, #tpu.memory_space<vmem>>
      %dma_wait3A_130 = arith.constant 0 : i32
      %dma_wait3A_131 = arith.constant 0 : i32
      %dma_wait3A_132 = tpu.memref_slice %arg5[%dma_wait3A_130, %dma_wait3A_131] : memref<4096x1024xf32, #tpu.memory_space<any>> -> memref<1024x1024xf32, #tpu.memory_space<any>>
      tpu.wait_dma2 semaphore(%dma_wait3A_125 : memref<!tpu.dma_semaphore, #tpu.memory_space<semaphore_mem>>) src(%dma_wait3A_132 : memref<1024x1024xf32, #tpu.memory_space<any>>) dst(%dma_wait3A_129 : memref<1024x1024xf32, #tpu.memory_space<vmem>>)
      %get3A_133 = arith.constant 0 : index
      %get3A_134 = arith.constant 0 : index
      %get3A_135 = arith.constant 0 : index
      %get3A_136 = vector.load %arg14[%get3A_133, %get3A_134, %get3A_135] : memref<2x1024x1024xf32, #tpu.memory_space<vmem>>, vector<1x1024x1024xf32>
      %get3A_137 = vector.shape_cast %get3A_136 : vector<1x1024x1024xf32> to vector<1024x1024xf32>
      %convert_element_type3A_138 = arith.truncf %get3A_137 : vector<1024x1024xf32> to vector<1024x1024xbf16>
      %swap3A_139 = arith.constant 0 : index
      %swap3A_140 = arith.constant 0 : index
      %swap3A_141 = vector.load %arg12[%swap3A_139, %swap3A_140] : memref<4096x1024xbf16, #tpu.memory_space<vmem>>, vector<1024x1024xbf16>
      tpu.vector_store %arg12[%swap3A_139, %swap3A_140], %convert_element_type3A_138 {strides = array<i32>} : memref<4096x1024xbf16, #tpu.memory_space<vmem>>, vector<1024x1024xbf16>,
      %dma_start3A_142 = arith.constant 0 : i32
      %dma_start3A_143 = arith.constant 0 : i32
      %dma_start3A_144 = tpu.memref_slice %arg15[%dma_start3A_143] : memref<2x!tpu.dma_semaphore, #tpu.memory_space<semaphore_mem>> -> memref<1x!tpu.dma_semaphore, #tpu.memory_space<semaphore_mem>>
      %dma_start3A_145 = tpu.memref_squeeze %dma_start3A_144 : memref<1x!tpu.dma_semaphore, #tpu.memory_space<semaphore_mem>> -> memref<!tpu.dma_semaphore, #tpu.memory_space<semaphore_mem>>
      %dma_start3A_146 = arith.constant 0 : i32
      %dma_start3A_147 = arith.constant 0 : i32
      %dma_start3A_148 = tpu.memref_slice %arg13[%dma_start3A_142, %dma_start3A_146, %dma_start3A_147] : memref<2x1024x1024xf32, #tpu.memory_space<vmem>> -> memref<1x1024x1024xf32, #tpu.memory_space<vmem>>
      %dma_start3A_149 = tpu.memref_squeeze %dma_start3A_148 : memref<1x1024x1024xf32, #tpu.memory_space<vmem>> -> memref<1024x1024xf32, #tpu.memory_space<vmem>>
      %dma_start3A_150 = arith.constant 0 : i32
      %dma_start3A_151 = arith.constant 1024 : i32
      %dma_start3A_152 = tpu.memref_slice %arg4[%dma_start3A_150, %dma_start3A_151] : memref<1024x4096xf32, #tpu.memory_space<any>> -> memref<1024x1024xf32, #tpu.memory_space<any>>
      tpu.enqueue_dma source(%dma_start3A_152 : memref<1024x1024xf32, #tpu.memory_space<any>>) target(%dma_start3A_149 : memref<1024x1024xf32, #tpu.memory_space<vmem>>) target_semaphore(%dma_start3A_145 : memref<!tpu.dma_semaphore, #tpu.memory_space<semaphore_mem>>)
      %dma_wait3A_153 = arith.constant 1 : i32
      %dma_wait3A_154 = arith.constant 1 : i32
      %dma_wait3A_155 = tpu.memref_slice %arg15[%dma_wait3A_154] : memref<2x!tpu.dma_semaphore, #tpu.memory_space<semaphore_mem>> -> memref<1x!tpu.dma_semaphore, #tpu.memory_space<semaphore_mem>>
      %dma_wait3A_156 = tpu.memref_squeeze %dma_wait3A_155 : memref<1x!tpu.dma_semaphore, #tpu.memory_space<semaphore_mem>> -> memref<!tpu.dma_semaphore, #tpu.memory_space<semaphore_mem>>
      %dma_wait3A_157 = arith.constant 0 : i32
      %dma_wait3A_158 = arith.constant 0 : i32
      %dma_wait3A_159 = tpu.memref_slice %arg13[%dma_wait3A_153, %dma_wait3A_157, %dma_wait3A_158] : memref<2x1024x1024xf32, #tpu.memory_space<vmem>> -> memref<1x1024x1024xf32, #tpu.memory_space<vmem>>
      %dma_wait3A_160 = tpu.memref_squeeze %dma_wait3A_159 : memref<1x1024x1024xf32, #tpu.memory_space<vmem>> -> memref<1024x1024xf32, #tpu.memory_space<vmem>>
      %dma_wait3A_161 = arith.constant 0 : i32
      %dma_wait3A_162 = arith.constant 1024 : i32
      %dma_wait3A_163 = tpu.memref_slice %arg3[%dma_wait3A_161, %dma_wait3A_162] : memref<1024x4096xf32, #tpu.memory_space<any>> -> memref<1024x1024xf32, #tpu.memory_space<any>>
      tpu.wait_dma2 semaphore(%dma_wait3A_156 : memref<!tpu.dma_semaphore, #tpu.memory_space<semaphore_mem>>) src(%dma_wait3A_163 : memref<1024x1024xf32, #tpu.memory_space<any>>) dst(%dma_wait3A_160 : memref<1024x1024xf32, #tpu.memory_space<vmem>>)
      %get3A_164 = arith.constant 1 : index
      %get3A_165 = arith.constant 0 : index
      %get3A_166 = arith.constant 0 : index
      %get3A_167 = vector.load %arg13[%get3A_164, %get3A_165, %get3A_166] : memref<2x1024x1024xf32, #tpu.memory_space<vmem>>, vector<1x1024x1024xf32>
      %get3A_168 = vector.shape_cast %get3A_167 : vector<1x1024x1024xf32> to vector<1024x1024xf32>
      %convert_element_type3A_169 = arith.truncf %get3A_168 : vector<1024x1024xf32> to vector<1024x1024xbf16>
      %swap3A_170 = arith.constant 0 : index
      %swap3A_171 = arith.constant 1024 : index
      %swap3A_172 = vector.load %arg10[%swap3A_170, %swap3A_171] : memref<1024x4096xbf16, #tpu.memory_space<vmem>>, vector<1024x1024xbf16>
      tpu.vector_store %arg10[%swap3A_170, %swap3A_171], %convert_element_type3A_169 {strides = array<i32>} : memref<1024x4096xbf16, #tpu.memory_space<vmem>>, vector<1024x1024xbf16>,
      %dma_start3A_173 = arith.constant 1 : i32
      %dma_start3A_174 = arith.constant 1 : i32
      %dma_start3A_175 = tpu.memref_slice %arg15[%dma_start3A_174] : memref<2x!tpu.dma_semaphore, #tpu.memory_space<semaphore_mem>> -> memref<1x!tpu.dma_semaphore, #tpu.memory_space<semaphore_mem>>
      %dma_start3A_176 = tpu.memref_squeeze %dma_start3A_175 : memref<1x!tpu.dma_semaphore, #tpu.memory_space<semaphore_mem>> -> memref<!tpu.dma_semaphore, #tpu.memory_space<semaphore_mem>>
      %dma_start3A_177 = arith.constant 0 : i32
      %dma_start3A_178 = arith.constant 0 : i32
      %dma_start3A_179 = tpu.memref_slice %arg14[%dma_start3A_173, %dma_start3A_177, %dma_start3A_178] : memref<2x1024x1024xf32, #tpu.memory_space<vmem>> -> memref<1x1024x1024xf32, #tpu.memory_space<vmem>>
      %dma_start3A_180 = tpu.memref_squeeze %dma_start3A_179 : memref<1x1024x1024xf32, #tpu.memory_space<vmem>> -> memref<1024x1024xf32, #tpu.memory_space<vmem>>
      %dma_start3A_181 = arith.constant 1024 : i32
      %dma_start3A_182 = arith.constant 0 : i32
      %dma_start3A_183 = tpu.memref_slice %arg5[%dma_start3A_181, %dma_start3A_182] : memref<4096x1024xf32, #tpu.memory_space<any>> -> memref<1024x1024xf32, #tpu.memory_space<any>>
      tpu.enqueue_dma source(%dma_start3A_183 : memref<1024x1024xf32, #tpu.memory_space<any>>) target(%dma_start3A_180 : memref<1024x1024xf32, #tpu.memory_space<vmem>>) target_semaphore(%dma_start3A_176 : memref<!tpu.dma_semaphore, #tpu.memory_space<semaphore_mem>>)
      %dma_wait3A_184 = arith.constant 0 : i32
      %dma_wait3A_185 = arith.constant 0 : i32
      %dma_wait3A_186 = tpu.memref_slice %arg15[%dma_wait3A_185] : memref<2x!tpu.dma_semaphore, #tpu.memory_space<semaphore_mem>> -> memref<1x!tpu.dma_semaphore, #tpu.memory_space<semaphore_mem>>
      %dma_wait3A_187 = tpu.memref_squeeze %dma_wait3A_186 : memref<1x!tpu.dma_semaphore, #tpu.memory_space<semaphore_mem>> -> memref<!tpu.dma_semaphore, #tpu.memory_space<semaphore_mem>>
      %dma_wait3A_188 = arith.constant 0 : i32
      %dma_wait3A_189 = arith.constant 0 : i32
      %dma_wait3A_190 = tpu.memref_slice %arg13[%dma_wait3A_184, %dma_wait3A_188, %dma_wait3A_189] : memref<2x1024x1024xf32, #tpu.memory_space<vmem>> -> memref<1x1024x1024xf32, #tpu.memory_space<vmem>>
      %dma_wait3A_191 = tpu.memref_squeeze %dma_wait3A_190 : memref<1x1024x1024xf32, #tpu.memory_space<vmem>> -> memref<1024x1024xf32, #tpu.memory_space<vmem>>
      %dma_wait3A_192 = arith.constant 0 : i32
      %dma_wait3A_193 = arith.constant 1024 : i32
      %dma_wait3A_194 = tpu.memref_slice %arg4[%dma_wait3A_192, %dma_wait3A_193] : memref<1024x4096xf32, #tpu.memory_space<any>> -> memref<1024x1024xf32, #tpu.memory_space<any>>
      tpu.wait_dma2 semaphore(%dma_wait3A_187 : memref<!tpu.dma_semaphore, #tpu.memory_space<semaphore_mem>>) src(%dma_wait3A_194 : memref<1024x1024xf32, #tpu.memory_space<any>>) dst(%dma_wait3A_191 : memref<1024x1024xf32, #tpu.memory_space<vmem>>)
      %get3A_195 = arith.constant 0 : index
      %get3A_196 = arith.constant 0 : index
      %get3A_197 = arith.constant 0 : index
      %get3A_198 = vector.load %arg13[%get3A_195, %get3A_196, %get3A_197] : memref<2x1024x1024xf32, #tpu.memory_space<vmem>>, vector<1x1024x1024xf32>
      %get3A_199 = vector.shape_cast %get3A_198 : vector<1x1024x1024xf32> to vector<1024x1024xf32>
      %convert_element_type3A_200 = arith.truncf %get3A_199 : vector<1024x1024xf32> to vector<1024x1024xbf16>
      %swap3A_201 = arith.constant 0 : index
      %swap3A_202 = arith.constant 1024 : index
      %swap3A_203 = vector.load %arg11[%swap3A_201, %swap3A_202] : memref<1024x4096xbf16, #tpu.memory_space<vmem>>, vector<1024x1024xbf16>
      tpu.vector_store %arg11[%swap3A_201, %swap3A_202], %convert_element_type3A_200 {strides = array<i32>} : memref<1024x4096xbf16, #tpu.memory_space<vmem>>, vector<1024x1024xbf16>,
      %dma_start3A_204 = arith.constant 0 : i32
      %dma_start3A_205 = arith.constant 0 : i32
      %dma_start3A_206 = tpu.memref_slice %arg15[%dma_start3A_205] : memref<2x!tpu.dma_semaphore, #tpu.memory_space<semaphore_mem>> -> memref<1x!tpu.dma_semaphore, #tpu.memory_space<semaphore_mem>>
      %dma_start3A_207 = tpu.memref_squeeze %dma_start3A_206 : memref<1x!tpu.dma_semaphore, #tpu.memory_space<semaphore_mem>> -> memref<!tpu.dma_semaphore, #tpu.memory_space<semaphore_mem>>
      %dma_start3A_208 = arith.constant 0 : i32
      %dma_start3A_209 = arith.constant 0 : i32
      %dma_start3A_210 = tpu.memref_slice %arg13[%dma_start3A_204, %dma_start3A_208, %dma_start3A_209] : memref<2x1024x1024xf32, #tpu.memory_space<vmem>> -> memref<1x1024x1024xf32, #tpu.memory_space<vmem>>
      %dma_start3A_211 = tpu.memref_squeeze %dma_start3A_210 : memref<1x1024x1024xf32, #tpu.memory_space<vmem>> -> memref<1024x1024xf32, #tpu.memory_space<vmem>>
      %dma_start3A_212 = arith.constant 0 : i32
      %dma_start3A_213 = arith.constant 2048 : i32
      %dma_start3A_214 = tpu.memref_slice %arg3[%dma_start3A_212, %dma_start3A_213] : memref<1024x4096xf32, #tpu.memory_space<any>> -> memref<1024x1024xf32, #tpu.memory_space<any>>
      tpu.enqueue_dma source(%dma_start3A_214 : memref<1024x1024xf32, #tpu.memory_space<any>>) target(%dma_start3A_211 : memref<1024x1024xf32, #tpu.memory_space<vmem>>) target_semaphore(%dma_start3A_207 : memref<!tpu.dma_semaphore, #tpu.memory_space<semaphore_mem>>)
      %dma_wait3A_215 = arith.constant 1 : i32
      %dma_wait3A_216 = arith.constant 1 : i32
      %dma_wait3A_217 = tpu.memref_slice %arg15[%dma_wait3A_216] : memref<2x!tpu.dma_semaphore, #tpu.memory_space<semaphore_mem>> -> memref<1x!tpu.dma_semaphore, #tpu.memory_space<semaphore_mem>>
      %dma_wait3A_218 = tpu.memref_squeeze %dma_wait3A_217 : memref<1x!tpu.dma_semaphore, #tpu.memory_space<semaphore_mem>> -> memref<!tpu.dma_semaphore, #tpu.memory_space<semaphore_mem>>
      %dma_wait3A_219 = arith.constant 0 : i32
      %dma_wait3A_220 = arith.constant 0 : i32
      %dma_wait3A_221 = tpu.memref_slice %arg14[%dma_wait3A_215, %dma_wait3A_219, %dma_wait3A_220] : memref<2x1024x1024xf32, #tpu.memory_space<vmem>> -> memref<1x1024x1024xf32, #tpu.memory_space<vmem>>
      %dma_wait3A_222 = tpu.memref_squeeze %dma_wait3A_221 : memref<1x1024x1024xf32, #tpu.memory_space<vmem>> -> memref<1024x1024xf32, #tpu.memory_space<vmem>>
      %dma_wait3A_223 = arith.constant 1024 : i32
      %dma_wait3A_224 = arith.constant 0 : i32
      %dma_wait3A_225 = tpu.memref_slice %arg5[%dma_wait3A_223, %dma_wait3A_224] : memref<4096x1024xf32, #tpu.memory_space<any>> -> memref<1024x1024xf32, #tpu.memory_space<any>>
      tpu.wait_dma2 semaphore(%dma_wait3A_218 : memref<!tpu.dma_semaphore, #tpu.memory_space<semaphore_mem>>) src(%dma_wait3A_225 : memref<1024x1024xf32, #tpu.memory_space<any>>) dst(%dma_wait3A_222 : memref<1024x1024xf32, #tpu.memory_space<vmem>>)
      %get3A_226 = arith.constant 1 : index
      %get3A_227 = arith.constant 0 : index
      %get3A_228 = arith.constant 0 : index
      %get3A_229 = vector.load %arg14[%get3A_226, %get3A_227, %get3A_228] : memref<2x1024x1024xf32, #tpu.memory_space<vmem>>, vector<1x1024x1024xf32>
      %get3A_230 = vector.shape_cast %get3A_229 : vector<1x1024x1024xf32> to vector<1024x1024xf32>
      %convert_element_type3A_231 = arith.truncf %get3A_230 : vector<1024x1024xf32> to vector<1024x1024xbf16>
      %swap3A_232 = arith.constant 1024 : index
      %swap3A_233 = arith.constant 0 : index
      %swap3A_234 = vector.load %arg12[%swap3A_232, %swap3A_233] : memref<4096x1024xbf16, #tpu.memory_space<vmem>>, vector<1024x1024xbf16>
      tpu.vector_store %arg12[%swap3A_232, %swap3A_233], %convert_element_type3A_231 {strides = array<i32>} : memref<4096x1024xbf16, #tpu.memory_space<vmem>>, vector<1024x1024xbf16>,
      %dma_start3A_235 = arith.constant 1 : i32
      %dma_start3A_236 = arith.constant 1 : i32
      %dma_start3A_237 = tpu.memref_slice %arg15[%dma_start3A_236] : memref<2x!tpu.dma_semaphore, #tpu.memory_space<semaphore_mem>> -> memref<1x!tpu.dma_semaphore, #tpu.memory_space<semaphore_mem>>
      %dma_start3A_238 = tpu.memref_squeeze %dma_start3A_237 : memref<1x!tpu.dma_semaphore, #tpu.memory_space<semaphore_mem>> -> memref<!tpu.dma_semaphore, #tpu.memory_space<semaphore_mem>>
      %dma_start3A_239 = arith.constant 0 : i32
      %dma_start3A_240 = arith.constant 0 : i32
      %dma_start3A_241 = tpu.memref_slice %arg13[%dma_start3A_235, %dma_start3A_239, %dma_start3A_240] : memref<2x1024x1024xf32, #tpu.memory_space<vmem>> -> memref<1x1024x1024xf32, #tpu.memory_space<vmem>>
      %dma_start3A_242 = tpu.memref_squeeze %dma_start3A_241 : memref<1x1024x1024xf32, #tpu.memory_space<vmem>> -> memref<1024x1024xf32, #tpu.memory_space<vmem>>
      %dma_start3A_243 = arith.constant 0 : i32
      %dma_start3A_244 = arith.constant 2048 : i32
      %dma_start3A_245 = tpu.memref_slice %arg4[%dma_start3A_243, %dma_start3A_244] : memref<1024x4096xf32, #tpu.memory_space<any>> -> memref<1024x1024xf32, #tpu.memory_space<any>>
      tpu.enqueue_dma source(%dma_start3A_245 : memref<1024x1024xf32, #tpu.memory_space<any>>) target(%dma_start3A_242 : memref<1024x1024xf32, #tpu.memory_space<vmem>>) target_semaphore(%dma_start3A_238 : memref<!tpu.dma_semaphore, #tpu.memory_space<semaphore_mem>>)
      %dma_wait3A_246 = arith.constant 0 : i32
      %dma_wait3A_247 = arith.constant 0 : i32
      %dma_wait3A_248 = tpu.memref_slice %arg15[%dma_wait3A_247] : memref<2x!tpu.dma_semaphore, #tpu.memory_space<semaphore_mem>> -> memref<1x!tpu.dma_semaphore, #tpu.memory_space<semaphore_mem>>
      %dma_wait3A_249 = tpu.memref_squeeze %dma_wait3A_248 : memref<1x!tpu.dma_semaphore, #tpu.memory_space<semaphore_mem>> -> memref<!tpu.dma_semaphore, #tpu.memory_space<semaphore_mem>>
      %dma_wait3A_250 = arith.constant 0 : i32
      %dma_wait3A_251 = arith.constant 0 : i32
      %dma_wait3A_252 = tpu.memref_slice %arg13[%dma_wait3A_246, %dma_wait3A_250, %dma_wait3A_251] : memref<2x1024x1024xf32, #tpu.memory_space<vmem>> -> memref<1x1024x1024xf32, #tpu.memory_space<vmem>>
      %dma_wait3A_253 = tpu.memref_squeeze %dma_wait3A_252 : memref<1x1024x1024xf32, #tpu.memory_space<vmem>> -> memref<1024x1024xf32, #tpu.memory_space<vmem>>
      %dma_wait3A_254 = arith.constant 0 : i32
      %dma_wait3A_255 = arith.constant 2048 : i32
      %dma_wait3A_256 = tpu.memref_slice %arg3[%dma_wait3A_254, %dma_wait3A_255] : memref<1024x4096xf32, #tpu.memory_space<any>> -> memref<1024x1024xf32, #tpu.memory_space<any>>
      tpu.wait_dma2 semaphore(%dma_wait3A_249 : memref<!tpu.dma_semaphore, #tpu.memory_space<semaphore_mem>>) src(%dma_wait3A_256 : memref<1024x1024xf32, #tpu.memory_space<any>>) dst(%dma_wait3A_253 : memref<1024x1024xf32, #tpu.memory_space<vmem>>)
      %get3A_257 = arith.constant 0 : index
      %get3A_258 = arith.constant 0 : index
      %get3A_259 = arith.constant 0 : index
      %get3A_260 = vector.load %arg13[%get3A_257, %get3A_258, %get3A_259] : memref<2x1024x1024xf32, #tpu.memory_space<vmem>>, vector<1x1024x1024xf32>
      %get3A_261 = vector.shape_cast %get3A_260 : vector<1x1024x1024xf32> to vector<1024x1024xf32>
      %convert_element_type3A_262 = arith.truncf %get3A_261 : vector<1024x1024xf32> to vector<1024x1024xbf16>
      %swap3A_263 = arith.constant 0 : index
      %swap3A_264 = arith.constant 2048 : index
      %swap3A_265 = vector.load %arg10[%swap3A_263, %swap3A_264] : memref<1024x4096xbf16, #tpu.memory_space<vmem>>, vector<1024x1024xbf16>
      tpu.vector_store %arg10[%swap3A_263, %swap3A_264], %convert_element_type3A_262 {strides = array<i32>} : memref<1024x4096xbf16, #tpu.memory_space<vmem>>, vector<1024x1024xbf16>,
      %dma_start3A_266 = arith.constant 0 : i32
      %dma_start3A_267 = arith.constant 0 : i32
      %dma_start3A_268 = tpu.memref_slice %arg15[%dma_start3A_267] : memref<2x!tpu.dma_semaphore, #tpu.memory_space<semaphore_mem>> -> memref<1x!tpu.dma_semaphore, #tpu.memory_space<semaphore_mem>>
      %dma_start3A_269 = tpu.memref_squeeze %dma_start3A_268 : memref<1x!tpu.dma_semaphore, #tpu.memory_space<semaphore_mem>> -> memref<!tpu.dma_semaphore, #tpu.memory_space<semaphore_mem>>
      %dma_start3A_270 = arith.constant 0 : i32
      %dma_start3A_271 = arith.constant 0 : i32
      %dma_start3A_272 = tpu.memref_slice %arg14[%dma_start3A_266, %dma_start3A_270, %dma_start3A_271] : memref<2x1024x1024xf32, #tpu.memory_space<vmem>> -> memref<1x1024x1024xf32, #tpu.memory_space<vmem>>
      %dma_start3A_273 = tpu.memref_squeeze %dma_start3A_272 : memref<1x1024x1024xf32, #tpu.memory_space<vmem>> -> memref<1024x1024xf32, #tpu.memory_space<vmem>>
      %dma_start3A_274 = arith.constant 2048 : i32
      %dma_start3A_275 = arith.constant 0 : i32
      %dma_start3A_276 = tpu.memref_slice %arg5[%dma_start3A_274, %dma_start3A_275] : memref<4096x1024xf32, #tpu.memory_space<any>> -> memref<1024x1024xf32, #tpu.memory_space<any>>
      tpu.enqueue_dma source(%dma_start3A_276 : memref<1024x1024xf32, #tpu.memory_space<any>>) target(%dma_start3A_273 : memref<1024x1024xf32, #tpu.memory_space<vmem>>) target_semaphore(%dma_start3A_269 : memref<!tpu.dma_semaphore, #tpu.memory_space<semaphore_mem>>)
      %dma_wait3A_277 = arith.constant 1 : i32
      %dma_wait3A_278 = arith.constant 1 : i32
      %dma_wait3A_279 = tpu.memref_slice %arg15[%dma_wait3A_278] : memref<2x!tpu.dma_semaphore, #tpu.memory_space<semaphore_mem>> -> memref<1x!tpu.dma_semaphore, #tpu.memory_space<semaphore_mem>>
      %dma_wait3A_280 = tpu.memref_squeeze %dma_wait3A_279 : memref<1x!tpu.dma_semaphore, #tpu.memory_space<semaphore_mem>> -> memref<!tpu.dma_semaphore, #tpu.memory_space<semaphore_mem>>
      %dma_wait3A_281 = arith.constant 0 : i32
      %dma_wait3A_282 = arith.constant 0 : i32
      %dma_wait3A_283 = tpu.memref_slice %arg13[%dma_wait3A_277, %dma_wait3A_281, %dma_wait3A_282] : memref<2x1024x1024xf32, #tpu.memory_space<vmem>> -> memref<1x1024x1024xf32, #tpu.memory_space<vmem>>
      %dma_wait3A_284 = tpu.memref_squeeze %dma_wait3A_283 : memref<1x1024x1024xf32, #tpu.memory_space<vmem>> -> memref<1024x1024xf32, #tpu.memory_space<vmem>>
      %dma_wait3A_285 = arith.constant 0 : i32
      %dma_wait3A_286 = arith.constant 2048 : i32
      %dma_wait3A_287 = tpu.memref_slice %arg4[%dma_wait3A_285, %dma_wait3A_286] : memref<1024x4096xf32, #tpu.memory_space<any>> -> memref<1024x1024xf32, #tpu.memory_space<any>>
      tpu.wait_dma2 semaphore(%dma_wait3A_280 : memref<!tpu.dma_semaphore, #tpu.memory_space<semaphore_mem>>) src(%dma_wait3A_287 : memref<1024x1024xf32, #tpu.memory_space<any>>) dst(%dma_wait3A_284 : memref<1024x1024xf32, #tpu.memory_space<vmem>>)
      %get3A_288 = arith.constant 1 : index
      %get3A_289 = arith.constant 0 : index
      %get3A_290 = arith.constant 0 : index
      %get3A_291 = vector.load %arg13[%get3A_288, %get3A_289, %get3A_290] : memref<2x1024x1024xf32, #tpu.memory_space<vmem>>, vector<1x1024x1024xf32>
      %get3A_292 = vector.shape_cast %get3A_291 : vector<1x1024x1024xf32> to vector<1024x1024xf32>
      %convert_element_type3A_293 = arith.truncf %get3A_292 : vector<1024x1024xf32> to vector<1024x1024xbf16>
      %swap3A_294 = arith.constant 0 : index
      %swap3A_295 = arith.constant 2048 : index
      %swap3A_296 = vector.load %arg11[%swap3A_294, %swap3A_295] : memref<1024x4096xbf16, #tpu.memory_space<vmem>>, vector<1024x1024xbf16>
      tpu.vector_store %arg11[%swap3A_294, %swap3A_295], %convert_element_type3A_293 {strides = array<i32>} : memref<1024x4096xbf16, #tpu.memory_space<vmem>>, vector<1024x1024xbf16>,
      %dma_start3A_297 = arith.constant 1 : i32
      %dma_start3A_298 = arith.constant 1 : i32
      %dma_start3A_299 = tpu.memref_slice %arg15[%dma_start3A_298] : memref<2x!tpu.dma_semaphore, #tpu.memory_space<semaphore_mem>> -> memref<1x!tpu.dma_semaphore, #tpu.memory_space<semaphore_mem>>
      %dma_start3A_300 = tpu.memref_squeeze %dma_start3A_299 : memref<1x!tpu.dma_semaphore, #tpu.memory_space<semaphore_mem>> -> memref<!tpu.dma_semaphore, #tpu.memory_space<semaphore_mem>>
      %dma_start3A_301 = arith.constant 0 : i32
      %dma_start3A_302 = arith.constant 0 : i32
      %dma_start3A_303 = tpu.memref_slice %arg13[%dma_start3A_297, %dma_start3A_301, %dma_start3A_302] : memref<2x1024x1024xf32, #tpu.memory_space<vmem>> -> memref<1x1024x1024xf32, #tpu.memory_space<vmem>>
      %dma_start3A_304 = tpu.memref_squeeze %dma_start3A_303 : memref<1x1024x1024xf32, #tpu.memory_space<vmem>> -> memref<1024x1024xf32, #tpu.memory_space<vmem>>
      %dma_start3A_305 = arith.constant 0 : i32
      %dma_start3A_306 = arith.constant 3072 : i32
      %dma_start3A_307 = tpu.memref_slice %arg3[%dma_start3A_305, %dma_start3A_306] : memref<1024x4096xf32, #tpu.memory_space<any>> -> memref<1024x1024xf32, #tpu.memory_space<any>>
      tpu.enqueue_dma source(%dma_start3A_307 : memref<1024x1024xf32, #tpu.memory_space<any>>) target(%dma_start3A_304 : memref<1024x1024xf32, #tpu.memory_space<vmem>>) target_semaphore(%dma_start3A_300 : memref<!tpu.dma_semaphore, #tpu.memory_space<semaphore_mem>>)
      %dma_wait3A_308 = arith.constant 0 : i32
      %dma_wait3A_309 = arith.constant 0 : i32
      %dma_wait3A_310 = tpu.memref_slice %arg15[%dma_wait3A_309] : memref<2x!tpu.dma_semaphore, #tpu.memory_space<semaphore_mem>> -> memref<1x!tpu.dma_semaphore, #tpu.memory_space<semaphore_mem>>
      %dma_wait3A_311 = tpu.memref_squeeze %dma_wait3A_310 : memref<1x!tpu.dma_semaphore, #tpu.memory_space<semaphore_mem>> -> memref<!tpu.dma_semaphore, #tpu.memory_space<semaphore_mem>>
      %dma_wait3A_312 = arith.constant 0 : i32
      %dma_wait3A_313 = arith.constant 0 : i32
      %dma_wait3A_314 = tpu.memref_slice %arg14[%dma_wait3A_308, %dma_wait3A_312, %dma_wait3A_313] : memref<2x1024x1024xf32, #tpu.memory_space<vmem>> -> memref<1x1024x1024xf32, #tpu.memory_space<vmem>>
      %dma_wait3A_315 = tpu.memref_squeeze %dma_wait3A_314 : memref<1x1024x1024xf32, #tpu.memory_space<vmem>> -> memref<1024x1024xf32, #tpu.memory_space<vmem>>
      %dma_wait3A_316 = arith.constant 2048 : i32
      %dma_wait3A_317 = arith.constant 0 : i32
      %dma_wait3A_318 = tpu.memref_slice %arg5[%dma_wait3A_316, %dma_wait3A_317] : memref<4096x1024xf32, #tpu.memory_space<any>> -> memref<1024x1024xf32, #tpu.memory_space<any>>
      tpu.wait_dma2 semaphore(%dma_wait3A_311 : memref<!tpu.dma_semaphore, #tpu.memory_space<semaphore_mem>>) src(%dma_wait3A_318 : memref<1024x1024xf32, #tpu.memory_space<any>>) dst(%dma_wait3A_315 : memref<1024x1024xf32, #tpu.memory_space<vmem>>)
      %get3A_319 = arith.constant 0 : index
      %get3A_320 = arith.constant 0 : index
      %get3A_321 = arith.constant 0 : index
      %get3A_322 = vector.load %arg14[%get3A_319, %get3A_320, %get3A_321] : memref<2x1024x1024xf32, #tpu.memory_space<vmem>>, vector<1x1024x1024xf32>
      %get3A_323 = vector.shape_cast %get3A_322 : vector<1x1024x1024xf32> to vector<1024x1024xf32>
      %convert_element_type3A_324 = arith.truncf %get3A_323 : vector<1024x1024xf32> to vector<1024x1024xbf16>
      %swap3A_325 = arith.constant 2048 : index
      %swap3A_326 = arith.constant 0 : index
      %swap3A_327 = vector.load %arg12[%swap3A_325, %swap3A_326] : memref<4096x1024xbf16, #tpu.memory_space<vmem>>, vector<1024x1024xbf16>
      tpu.vector_store %arg12[%swap3A_325, %swap3A_326], %convert_element_type3A_324 {strides = array<i32>} : memref<4096x1024xbf16, #tpu.memory_space<vmem>>, vector<1024x1024xbf16>,
      %dma_start3A_328 = arith.constant 0 : i32
      %dma_start3A_329 = arith.constant 0 : i32
      %dma_start3A_330 = tpu.memref_slice %arg15[%dma_start3A_329] : memref<2x!tpu.dma_semaphore, #tpu.memory_space<semaphore_mem>> -> memref<1x!tpu.dma_semaphore, #tpu.memory_space<semaphore_mem>>
      %dma_start3A_331 = tpu.memref_squeeze %dma_start3A_330 : memref<1x!tpu.dma_semaphore, #tpu.memory_space<semaphore_mem>> -> memref<!tpu.dma_semaphore, #tpu.memory_space<semaphore_mem>>
      %dma_start3A_332 = arith.constant 0 : i32
      %dma_start3A_333 = arith.constant 0 : i32
      %dma_start3A_334 = tpu.memref_slice %arg13[%dma_start3A_328, %dma_start3A_332, %dma_start3A_333] : memref<2x1024x1024xf32, #tpu.memory_space<vmem>> -> memref<1x1024x1024xf32, #tpu.memory_space<vmem>>
      %dma_start3A_335 = tpu.memref_squeeze %dma_start3A_334 : memref<1x1024x1024xf32, #tpu.memory_space<vmem>> -> memref<1024x1024xf32, #tpu.memory_space<vmem>>
      %dma_start3A_336 = arith.constant 0 : i32
      %dma_start3A_337 = arith.constant 3072 : i32
      %dma_start3A_338 = tpu.memref_slice %arg4[%dma_start3A_336, %dma_start3A_337] : memref<1024x4096xf32, #tpu.memory_space<any>> -> memref<1024x1024xf32, #tpu.memory_space<any>>
      tpu.enqueue_dma source(%dma_start3A_338 : memref<1024x1024xf32, #tpu.memory_space<any>>) target(%dma_start3A_335 : memref<1024x1024xf32, #tpu.memory_space<vmem>>) target_semaphore(%dma_start3A_331 : memref<!tpu.dma_semaphore, #tpu.memory_space<semaphore_mem>>)
      %dma_wait3A_339 = arith.constant 1 : i32
      %dma_wait3A_340 = arith.constant 1 : i32
      %dma_wait3A_341 = tpu.memref_slice %arg15[%dma_wait3A_340] : memref<2x!tpu.dma_semaphore, #tpu.memory_space<semaphore_mem>> -> memref<1x!tpu.dma_semaphore, #tpu.memory_space<semaphore_mem>>
      %dma_wait3A_342 = tpu.memref_squeeze %dma_wait3A_341 : memref<1x!tpu.dma_semaphore, #tpu.memory_space<semaphore_mem>> -> memref<!tpu.dma_semaphore, #tpu.memory_space<semaphore_mem>>
      %dma_wait3A_343 = arith.constant 0 : i32
      %dma_wait3A_344 = arith.constant 0 : i32
      %dma_wait3A_345 = tpu.memref_slice %arg13[%dma_wait3A_339, %dma_wait3A_343, %dma_wait3A_344] : memref<2x1024x1024xf32, #tpu.memory_space<vmem>> -> memref<1x1024x1024xf32, #tpu.memory_space<vmem>>
      %dma_wait3A_346 = tpu.memref_squeeze %dma_wait3A_345 : memref<1x1024x1024xf32, #tpu.memory_space<vmem>> -> memref<1024x1024xf32, #tpu.memory_space<vmem>>
      %dma_wait3A_347 = arith.constant 0 : i32
      %dma_wait3A_348 = arith.constant 3072 : i32
      %dma_wait3A_349 = tpu.memref_slice %arg3[%dma_wait3A_347, %dma_wait3A_348] : memref<1024x4096xf32, #tpu.memory_space<any>> -> memref<1024x1024xf32, #tpu.memory_space<any>>
      tpu.wait_dma2 semaphore(%dma_wait3A_342 : memref<!tpu.dma_semaphore, #tpu.memory_space<semaphore_mem>>) src(%dma_wait3A_349 : memref<1024x1024xf32, #tpu.memory_space<any>>) dst(%dma_wait3A_346 : memref<1024x1024xf32, #tpu.memory_space<vmem>>)
      %get3A_350 = arith.constant 1 : index
      %get3A_351 = arith.constant 0 : index
      %get3A_352 = arith.constant 0 : index
      %get3A_353 = vector.load %arg13[%get3A_350, %get3A_351, %get3A_352] : memref<2x1024x1024xf32, #tpu.memory_space<vmem>>, vector<1x1024x1024xf32>
      %get3A_354 = vector.shape_cast %get3A_353 : vector<1x1024x1024xf32> to vector<1024x1024xf32>
      %convert_element_type3A_355 = arith.truncf %get3A_354 : vector<1024x1024xf32> to vector<1024x1024xbf16>
      %swap3A_356 = arith.constant 0 : index
      %swap3A_357 = arith.constant 3072 : index
      %swap3A_358 = vector.load %arg10[%swap3A_356, %swap3A_357] : memref<1024x4096xbf16, #tpu.memory_space<vmem>>, vector<1024x1024xbf16>
      tpu.vector_store %arg10[%swap3A_356, %swap3A_357], %convert_element_type3A_355 {strides = array<i32>} : memref<1024x4096xbf16, #tpu.memory_space<vmem>>, vector<1024x1024xbf16>,
      %dma_start3A_359 = arith.constant 1 : i32
      %dma_start3A_360 = arith.constant 1 : i32
      %dma_start3A_361 = tpu.memref_slice %arg15[%dma_start3A_360] : memref<2x!tpu.dma_semaphore, #tpu.memory_space<semaphore_mem>> -> memref<1x!tpu.dma_semaphore, #tpu.memory_space<semaphore_mem>>
      %dma_start3A_362 = tpu.memref_squeeze %dma_start3A_361 : memref<1x!tpu.dma_semaphore, #tpu.memory_space<semaphore_mem>> -> memref<!tpu.dma_semaphore, #tpu.memory_space<semaphore_mem>>
      %dma_start3A_363 = arith.constant 0 : i32
      %dma_start3A_364 = arith.constant 0 : i32
      %dma_start3A_365 = tpu.memref_slice %arg14[%dma_start3A_359, %dma_start3A_363, %dma_start3A_364] : memref<2x1024x1024xf32, #tpu.memory_space<vmem>> -> memref<1x1024x1024xf32, #tpu.memory_space<vmem>>
      %dma_start3A_366 = tpu.memref_squeeze %dma_start3A_365 : memref<1x1024x1024xf32, #tpu.memory_space<vmem>> -> memref<1024x1024xf32, #tpu.memory_space<vmem>>
      %dma_start3A_367 = arith.constant 3072 : i32
      %dma_start3A_368 = arith.constant 0 : i32
      %dma_start3A_369 = tpu.memref_slice %arg5[%dma_start3A_367, %dma_start3A_368] : memref<4096x1024xf32, #tpu.memory_space<any>> -> memref<1024x1024xf32, #tpu.memory_space<any>>
      tpu.enqueue_dma source(%dma_start3A_369 : memref<1024x1024xf32, #tpu.memory_space<any>>) target(%dma_start3A_366 : memref<1024x1024xf32, #tpu.memory_space<vmem>>) target_semaphore(%dma_start3A_362 : memref<!tpu.dma_semaphore, #tpu.memory_space<semaphore_mem>>)
      %dma_wait3A_370 = arith.constant 0 : i32
      %dma_wait3A_371 = arith.constant 0 : i32
      %dma_wait3A_372 = tpu.memref_slice %arg15[%dma_wait3A_371] : memref<2x!tpu.dma_semaphore, #tpu.memory_space<semaphore_mem>> -> memref<1x!tpu.dma_semaphore, #tpu.memory_space<semaphore_mem>>
      %dma_wait3A_373 = tpu.memref_squeeze %dma_wait3A_372 : memref<1x!tpu.dma_semaphore, #tpu.memory_space<semaphore_mem>> -> memref<!tpu.dma_semaphore, #tpu.memory_space<semaphore_mem>>
      %dma_wait3A_374 = arith.constant 0 : i32
      %dma_wait3A_375 = arith.constant 0 : i32
      %dma_wait3A_376 = tpu.memref_slice %arg13[%dma_wait3A_370, %dma_wait3A_374, %dma_wait3A_375] : memref<2x1024x1024xf32, #tpu.memory_space<vmem>> -> memref<1x1024x1024xf32, #tpu.memory_space<vmem>>
      %dma_wait3A_377 = tpu.memref_squeeze %dma_wait3A_376 : memref<1x1024x1024xf32, #tpu.memory_space<vmem>> -> memref<1024x1024xf32, #tpu.memory_space<vmem>>
      %dma_wait3A_378 = arith.constant 0 : i32
      %dma_wait3A_379 = arith.constant 3072 : i32
      %dma_wait3A_380 = tpu.memref_slice %arg4[%dma_wait3A_378, %dma_wait3A_379] : memref<1024x4096xf32, #tpu.memory_space<any>> -> memref<1024x1024xf32, #tpu.memory_space<any>>
      tpu.wait_dma2 semaphore(%dma_wait3A_373 : memref<!tpu.dma_semaphore, #tpu.memory_space<semaphore_mem>>) src(%dma_wait3A_380 : memref<1024x1024xf32, #tpu.memory_space<any>>) dst(%dma_wait3A_377 : memref<1024x1024xf32, #tpu.memory_space<vmem>>)
      %get3A_381 = arith.constant 0 : index
      %get3A_382 = arith.constant 0 : index
      %get3A_383 = arith.constant 0 : index
      %get3A_384 = vector.load %arg13[%get3A_381, %get3A_382, %get3A_383] : memref<2x1024x1024xf32, #tpu.memory_space<vmem>>, vector<1x1024x1024xf32>
      %get3A_385 = vector.shape_cast %get3A_384 : vector<1x1024x1024xf32> to vector<1024x1024xf32>
      %convert_element_type3A_386 = arith.truncf %get3A_385 : vector<1024x1024xf32> to vector<1024x1024xbf16>
      %swap3A_387 = arith.constant 0 : index
      %swap3A_388 = arith.constant 3072 : index
      %swap3A_389 = vector.load %arg11[%swap3A_387, %swap3A_388] : memref<1024x4096xbf16, #tpu.memory_space<vmem>>, vector<1024x1024xbf16>
      tpu.vector_store %arg11[%swap3A_387, %swap3A_388], %convert_element_type3A_386 {strides = array<i32>} : memref<1024x4096xbf16, #tpu.memory_space<vmem>>, vector<1024x1024xbf16>,
      %dma_wait3A_390 = arith.constant 1 : i32
      %dma_wait3A_391 = arith.constant 1 : i32
      %dma_wait3A_392 = tpu.memref_slice %arg15[%dma_wait3A_391] : memref<2x!tpu.dma_semaphore, #tpu.memory_space<semaphore_mem>> -> memref<1x!tpu.dma_semaphore, #tpu.memory_space<semaphore_mem>>
      %dma_wait3A_393 = tpu.memref_squeeze %dma_wait3A_392 : memref<1x!tpu.dma_semaphore, #tpu.memory_space<semaphore_mem>> -> memref<!tpu.dma_semaphore, #tpu.memory_space<semaphore_mem>>
      %dma_wait3A_394 = arith.constant 0 : i32
      %dma_wait3A_395 = arith.constant 0 : i32
      %dma_wait3A_396 = tpu.memref_slice %arg14[%dma_wait3A_390, %dma_wait3A_394, %dma_wait3A_395] : memref<2x1024x1024xf32, #tpu.memory_space<vmem>> -> memref<1x1024x1024xf32, #tpu.memory_space<vmem>>
      %dma_wait3A_397 = tpu.memref_squeeze %dma_wait3A_396 : memref<1x1024x1024xf32, #tpu.memory_space<vmem>> -> memref<1024x1024xf32, #tpu.memory_space<vmem>>
      %dma_wait3A_398 = arith.constant 3072 : i32
      %dma_wait3A_399 = arith.constant 0 : i32
      %dma_wait3A_400 = tpu.memref_slice %arg5[%dma_wait3A_398, %dma_wait3A_399] : memref<4096x1024xf32, #tpu.memory_space<any>> -> memref<1024x1024xf32, #tpu.memory_space<any>>
      tpu.wait_dma2 semaphore(%dma_wait3A_393 : memref<!tpu.dma_semaphore, #tpu.memory_space<semaphore_mem>>) src(%dma_wait3A_400 : memref<1024x1024xf32, #tpu.memory_space<any>>) dst(%dma_wait3A_397 : memref<1024x1024xf32, #tpu.memory_space<vmem>>)
      %get3A_401 = arith.constant 1 : index
      %get3A_402 = arith.constant 0 : index
      %get3A_403 = arith.constant 0 : index
      %get3A_404 = vector.load %arg14[%get3A_401, %get3A_402, %get3A_403] : memref<2x1024x1024xf32, #tpu.memory_space<vmem>>, vector<1x1024x1024xf32>
      %get3A_405 = vector.shape_cast %get3A_404 : vector<1x1024x1024xf32> to vector<1024x1024xf32>
      %convert_element_type3A_406 = arith.truncf %get3A_405 : vector<1024x1024xf32> to vector<1024x1024xbf16>
      %swap3A_407 = arith.constant 3072 : index
      %swap3A_408 = arith.constant 0 : index
      %swap3A_409 = vector.load %arg12[%swap3A_407, %swap3A_408] : memref<4096x1024xbf16, #tpu.memory_space<vmem>>, vector<1024x1024xbf16>
      tpu.vector_store %arg12[%swap3A_407, %swap3A_408], %convert_element_type3A_406 {strides = array<i32>} : memref<4096x1024xbf16, #tpu.memory_space<vmem>>, vector<1024x1024xbf16>,
    } else {
    }
    %eq3A_4 = arith.cmpi eq, %arg0, %get3A_0 : i32
    %eq3A_5 = arith.constant 0 : i32
    %eq3A_6 = arith.cmpi eq, %arg0, %eq3A_5 : i32
    %eq3A_7 = arith.constant 0 : i32
    %eq3A_8 = arith.cmpi eq, %get3A_0, %eq3A_7 : i32
    %and3A_9 = arith.andi %eq3A_6, %eq3A_8 : i1
    %or3A = arith.ori %eq3A_4, %and3A_9 : i1
    %convert_element_type3A_10 = arith.extui %or3A : i1 to i32
    %cond3A_11 = arith.constant 0 : i32
    %cond3A_12 = arith.cmpi ne, %convert_element_type3A_10, %cond3A_11 : i32
    scf.if %cond3A_12 {
      %dma_start3A = arith.constant 0 : i32
      %dma_start3A_40 = arith.constant 0 : i32
      %dma_start3A_41 = tpu.memref_slice %arg15[%dma_start3A_40] : memref<2x!tpu.dma_semaphore, #tpu.memory_space<semaphore_mem>> -> memref<1x!tpu.dma_semaphore, #tpu.memory_space<semaphore_mem>>
      %dma_start3A_42 = tpu.memref_squeeze %dma_start3A_41 : memref<1x!tpu.dma_semaphore, #tpu.memory_space<semaphore_mem>> -> memref<!tpu.dma_semaphore, #tpu.memory_space<semaphore_mem>>
      %dma_start3A_43 = arith.constant 0 : i32
      %dma_start3A_44 = arith.constant 0 : i32
      %dma_start3A_45 = tpu.memref_slice %arg13[%dma_start3A, %dma_start3A_43, %dma_start3A_44] : memref<2x1024x1024xf32, #tpu.memory_space<vmem>> -> memref<1x1024x1024xf32, #tpu.memory_space<vmem>>
      %dma_start3A_46 = tpu.memref_squeeze %dma_start3A_45 : memref<1x1024x1024xf32, #tpu.memory_space<vmem>> -> memref<1024x1024xf32, #tpu.memory_space<vmem>>
      %dma_start3A_47 = arith.constant 0 : i32
      %dma_start3A_48 = arith.constant 0 : i32
      %dma_start3A_49 = tpu.memref_slice %arg6[%dma_start3A_47, %dma_start3A_48] : memref<1024x4096xf32, #tpu.memory_space<any>> -> memref<1024x1024xf32, #tpu.memory_space<any>>
      tpu.enqueue_dma source(%dma_start3A_49 : memref<1024x1024xf32, #tpu.memory_space<any>>) target(%dma_start3A_46 : memref<1024x1024xf32, #tpu.memory_space<vmem>>) target_semaphore(%dma_start3A_42 : memref<!tpu.dma_semaphore, #tpu.memory_space<semaphore_mem>>)
      %dma_start3A_50 = arith.constant 1 : i32
      %dma_start3A_51 = arith.constant 1 : i32
      %dma_start3A_52 = tpu.memref_slice %arg15[%dma_start3A_51] : memref<2x!tpu.dma_semaphore, #tpu.memory_space<semaphore_mem>> -> memref<1x!tpu.dma_semaphore, #tpu.memory_space<semaphore_mem>>
      %dma_start3A_53 = tpu.memref_squeeze %dma_start3A_52 : memref<1x!tpu.dma_semaphore, #tpu.memory_space<semaphore_mem>> -> memref<!tpu.dma_semaphore, #tpu.memory_space<semaphore_mem>>
      %dma_start3A_54 = arith.constant 0 : i32
      %dma_start3A_55 = arith.constant 0 : i32
      %dma_start3A_56 = tpu.memref_slice %arg13[%dma_start3A_50, %dma_start3A_54, %dma_start3A_55] : memref<2x1024x1024xf32, #tpu.memory_space<vmem>> -> memref<1x1024x1024xf32, #tpu.memory_space<vmem>>
      %dma_start3A_57 = tpu.memref_squeeze %dma_start3A_56 : memref<1x1024x1024xf32, #tpu.memory_space<vmem>> -> memref<1024x1024xf32, #tpu.memory_space<vmem>>
      %dma_start3A_58 = arith.constant 0 : i32
      %dma_start3A_59 = arith.constant 0 : i32
      %dma_start3A_60 = tpu.memref_slice %arg7[%dma_start3A_58, %dma_start3A_59] : memref<1024x4096xf32, #tpu.memory_space<any>> -> memref<1024x1024xf32, #tpu.memory_space<any>>
      tpu.enqueue_dma source(%dma_start3A_60 : memref<1024x1024xf32, #tpu.memory_space<any>>) target(%dma_start3A_57 : memref<1024x1024xf32, #tpu.memory_space<vmem>>) target_semaphore(%dma_start3A_53 : memref<!tpu.dma_semaphore, #tpu.memory_space<semaphore_mem>>)
      %dma_wait3A = arith.constant 0 : i32
      %dma_wait3A_61 = arith.constant 0 : i32
      %dma_wait3A_62 = tpu.memref_slice %arg15[%dma_wait3A_61] : memref<2x!tpu.dma_semaphore, #tpu.memory_space<semaphore_mem>> -> memref<1x!tpu.dma_semaphore, #tpu.memory_space<semaphore_mem>>
      %dma_wait3A_63 = tpu.memref_squeeze %dma_wait3A_62 : memref<1x!tpu.dma_semaphore, #tpu.memory_space<semaphore_mem>> -> memref<!tpu.dma_semaphore, #tpu.memory_space<semaphore_mem>>
      %dma_wait3A_64 = arith.constant 0 : i32
      %dma_wait3A_65 = arith.constant 0 : i32
      %dma_wait3A_66 = tpu.memref_slice %arg13[%dma_wait3A, %dma_wait3A_64, %dma_wait3A_65] : memref<2x1024x1024xf32, #tpu.memory_space<vmem>> -> memref<1x1024x1024xf32, #tpu.memory_space<vmem>>
      %dma_wait3A_67 = tpu.memref_squeeze %dma_wait3A_66 : memref<1x1024x1024xf32, #tpu.memory_space<vmem>> -> memref<1024x1024xf32, #tpu.memory_space<vmem>>
      %dma_wait3A_68 = arith.constant 0 : i32
      %dma_wait3A_69 = arith.constant 0 : i32
      %dma_wait3A_70 = tpu.memref_slice %arg6[%dma_wait3A_68, %dma_wait3A_69] : memref<1024x4096xf32, #tpu.memory_space<any>> -> memref<1024x1024xf32, #tpu.memory_space<any>>
      tpu.wait_dma2 semaphore(%dma_wait3A_63 : memref<!tpu.dma_semaphore, #tpu.memory_space<semaphore_mem>>) src(%dma_wait3A_70 : memref<1024x1024xf32, #tpu.memory_space<any>>) dst(%dma_wait3A_67 : memref<1024x1024xf32, #tpu.memory_space<vmem>>)
      %get3A_71 = arith.constant 0 : index
      %get3A_72 = arith.constant 0 : index
      %get3A_73 = arith.constant 0 : index
      %get3A_74 = vector.load %arg13[%get3A_71, %get3A_72, %get3A_73] : memref<2x1024x1024xf32, #tpu.memory_space<vmem>>, vector<1x1024x1024xf32>
      %get3A_75 = vector.shape_cast %get3A_74 : vector<1x1024x1024xf32> to vector<1024x1024xf32>
      %convert_element_type3A_76 = arith.truncf %get3A_75 : vector<1024x1024xf32> to vector<1024x1024xbf16>
      %swap3A_77 = arith.constant 0 : index
      %swap3A_78 = arith.constant 0 : index
      %swap3A_79 = vector.load %arg10[%swap3A_77, %swap3A_78] : memref<1024x4096xbf16, #tpu.memory_space<vmem>>, vector<1024x1024xbf16>
      tpu.vector_store %arg10[%swap3A_77, %swap3A_78], %convert_element_type3A_76 {strides = array<i32>} : memref<1024x4096xbf16, #tpu.memory_space<vmem>>, vector<1024x1024xbf16>,
      %dma_start3A_80 = arith.constant 0 : i32
      %dma_start3A_81 = arith.constant 0 : i32
      %dma_start3A_82 = tpu.memref_slice %arg15[%dma_start3A_81] : memref<2x!tpu.dma_semaphore, #tpu.memory_space<semaphore_mem>> -> memref<1x!tpu.dma_semaphore, #tpu.memory_space<semaphore_mem>>
      %dma_start3A_83 = tpu.memref_squeeze %dma_start3A_82 : memref<1x!tpu.dma_semaphore, #tpu.memory_space<semaphore_mem>> -> memref<!tpu.dma_semaphore, #tpu.memory_space<semaphore_mem>>
      %dma_start3A_84 = arith.constant 0 : i32
      %dma_start3A_85 = arith.constant 0 : i32
      %dma_start3A_86 = tpu.memref_slice %arg14[%dma_start3A_80, %dma_start3A_84, %dma_start3A_85] : memref<2x1024x1024xf32, #tpu.memory_space<vmem>> -> memref<1x1024x1024xf32, #tpu.memory_space<vmem>>
      %dma_start3A_87 = tpu.memref_squeeze %dma_start3A_86 : memref<1x1024x1024xf32, #tpu.memory_space<vmem>> -> memref<1024x1024xf32, #tpu.memory_space<vmem>>
      %dma_start3A_88 = arith.constant 0 : i32
      %dma_start3A_89 = arith.constant 0 : i32
      %dma_start3A_90 = tpu.memref_slice %arg8[%dma_start3A_88, %dma_start3A_89] : memref<4096x1024xf32, #tpu.memory_space<any>> -> memref<1024x1024xf32, #tpu.memory_space<any>>
      tpu.enqueue_dma source(%dma_start3A_90 : memref<1024x1024xf32, #tpu.memory_space<any>>) target(%dma_start3A_87 : memref<1024x1024xf32, #tpu.memory_space<vmem>>) target_semaphore(%dma_start3A_83 : memref<!tpu.dma_semaphore, #tpu.memory_space<semaphore_mem>>)
      %dma_wait3A_91 = arith.constant 1 : i32
      %dma_wait3A_92 = arith.constant 1 : i32
      %dma_wait3A_93 = tpu.memref_slice %arg15[%dma_wait3A_92] : memref<2x!tpu.dma_semaphore, #tpu.memory_space<semaphore_mem>> -> memref<1x!tpu.dma_semaphore, #tpu.memory_space<semaphore_mem>>
      %dma_wait3A_94 = tpu.memref_squeeze %dma_wait3A_93 : memref<1x!tpu.dma_semaphore, #tpu.memory_space<semaphore_mem>> -> memref<!tpu.dma_semaphore, #tpu.memory_space<semaphore_mem>>
      %dma_wait3A_95 = arith.constant 0 : i32
      %dma_wait3A_96 = arith.constant 0 : i32
      %dma_wait3A_97 = tpu.memref_slice %arg13[%dma_wait3A_91, %dma_wait3A_95, %dma_wait3A_96] : memref<2x1024x1024xf32, #tpu.memory_space<vmem>> -> memref<1x1024x1024xf32, #tpu.memory_space<vmem>>
      %dma_wait3A_98 = tpu.memref_squeeze %dma_wait3A_97 : memref<1x1024x1024xf32, #tpu.memory_space<vmem>> -> memref<1024x1024xf32, #tpu.memory_space<vmem>>
      %dma_wait3A_99 = arith.constant 0 : i32
      %dma_wait3A_100 = arith.constant 0 : i32
      %dma_wait3A_101 = tpu.memref_slice %arg7[%dma_wait3A_99, %dma_wait3A_100] : memref<1024x4096xf32, #tpu.memory_space<any>> -> memref<1024x1024xf32, #tpu.memory_space<any>>
      tpu.wait_dma2 semaphore(%dma_wait3A_94 : memref<!tpu.dma_semaphore, #tpu.memory_space<semaphore_mem>>) src(%dma_wait3A_101 : memref<1024x1024xf32, #tpu.memory_space<any>>) dst(%dma_wait3A_98 : memref<1024x1024xf32, #tpu.memory_space<vmem>>)
      %get3A_102 = arith.constant 1 : index
      %get3A_103 = arith.constant 0 : index
      %get3A_104 = arith.constant 0 : index
      %get3A_105 = vector.load %arg13[%get3A_102, %get3A_103, %get3A_104] : memref<2x1024x1024xf32, #tpu.memory_space<vmem>>, vector<1x1024x1024xf32>
      %get3A_106 = vector.shape_cast %get3A_105 : vector<1x1024x1024xf32> to vector<1024x1024xf32>
      %convert_element_type3A_107 = arith.truncf %get3A_106 : vector<1024x1024xf32> to vector<1024x1024xbf16>
      %swap3A_108 = arith.constant 0 : index
      %swap3A_109 = arith.constant 0 : index
      %swap3A_110 = vector.load %arg11[%swap3A_108, %swap3A_109] : memref<1024x4096xbf16, #tpu.memory_space<vmem>>, vector<1024x1024xbf16>
      tpu.vector_store %arg11[%swap3A_108, %swap3A_109], %convert_element_type3A_107 {strides = array<i32>} : memref<1024x4096xbf16, #tpu.memory_space<vmem>>, vector<1024x1024xbf16>,
      %dma_start3A_111 = arith.constant 1 : i32
      %dma_start3A_112 = arith.constant 1 : i32
      %dma_start3A_113 = tpu.memref_slice %arg15[%dma_start3A_112] : memref<2x!tpu.dma_semaphore, #tpu.memory_space<semaphore_mem>> -> memref<1x!tpu.dma_semaphore, #tpu.memory_space<semaphore_mem>>
      %dma_start3A_114 = tpu.memref_squeeze %dma_start3A_113 : memref<1x!tpu.dma_semaphore, #tpu.memory_space<semaphore_mem>> -> memref<!tpu.dma_semaphore, #tpu.memory_space<semaphore_mem>>
      %dma_start3A_115 = arith.constant 0 : i32
      %dma_start3A_116 = arith.constant 0 : i32
      %dma_start3A_117 = tpu.memref_slice %arg13[%dma_start3A_111, %dma_start3A_115, %dma_start3A_116] : memref<2x1024x1024xf32, #tpu.memory_space<vmem>> -> memref<1x1024x1024xf32, #tpu.memory_space<vmem>>
      %dma_start3A_118 = tpu.memref_squeeze %dma_start3A_117 : memref<1x1024x1024xf32, #tpu.memory_space<vmem>> -> memref<1024x1024xf32, #tpu.memory_space<vmem>>
      %dma_start3A_119 = arith.constant 0 : i32
      %dma_start3A_120 = arith.constant 1024 : i32
      %dma_start3A_121 = tpu.memref_slice %arg6[%dma_start3A_119, %dma_start3A_120] : memref<1024x4096xf32, #tpu.memory_space<any>> -> memref<1024x1024xf32, #tpu.memory_space<any>>
      tpu.enqueue_dma source(%dma_start3A_121 : memref<1024x1024xf32, #tpu.memory_space<any>>) target(%dma_start3A_118 : memref<1024x1024xf32, #tpu.memory_space<vmem>>) target_semaphore(%dma_start3A_114 : memref<!tpu.dma_semaphore, #tpu.memory_space<semaphore_mem>>)
      %dma_wait3A_122 = arith.constant 0 : i32
      %dma_wait3A_123 = arith.constant 0 : i32
      %dma_wait3A_124 = tpu.memref_slice %arg15[%dma_wait3A_123] : memref<2x!tpu.dma_semaphore, #tpu.memory_space<semaphore_mem>> -> memref<1x!tpu.dma_semaphore, #tpu.memory_space<semaphore_mem>>
      %dma_wait3A_125 = tpu.memref_squeeze %dma_wait3A_124 : memref<1x!tpu.dma_semaphore, #tpu.memory_space<semaphore_mem>> -> memref<!tpu.dma_semaphore, #tpu.memory_space<semaphore_mem>>
      %dma_wait3A_126 = arith.constant 0 : i32
      %dma_wait3A_127 = arith.constant 0 : i32
      %dma_wait3A_128 = tpu.memref_slice %arg14[%dma_wait3A_122, %dma_wait3A_126, %dma_wait3A_127] : memref<2x1024x1024xf32, #tpu.memory_space<vmem>> -> memref<1x1024x1024xf32, #tpu.memory_space<vmem>>
      %dma_wait3A_129 = tpu.memref_squeeze %dma_wait3A_128 : memref<1x1024x1024xf32, #tpu.memory_space<vmem>> -> memref<1024x1024xf32, #tpu.memory_space<vmem>>
      %dma_wait3A_130 = arith.constant 0 : i32
      %dma_wait3A_131 = arith.constant 0 : i32
      %dma_wait3A_132 = tpu.memref_slice %arg8[%dma_wait3A_130, %dma_wait3A_131] : memref<4096x1024xf32, #tpu.memory_space<any>> -> memref<1024x1024xf32, #tpu.memory_space<any>>
      tpu.wait_dma2 semaphore(%dma_wait3A_125 : memref<!tpu.dma_semaphore, #tpu.memory_space<semaphore_mem>>) src(%dma_wait3A_132 : memref<1024x1024xf32, #tpu.memory_space<any>>) dst(%dma_wait3A_129 : memref<1024x1024xf32, #tpu.memory_space<vmem>>)
      %get3A_133 = arith.constant 0 : index
      %get3A_134 = arith.constant 0 : index
      %get3A_135 = arith.constant 0 : index
      %get3A_136 = vector.load %arg14[%get3A_133, %get3A_134, %get3A_135] : memref<2x1024x1024xf32, #tpu.memory_space<vmem>>, vector<1x1024x1024xf32>
      %get3A_137 = vector.shape_cast %get3A_136 : vector<1x1024x1024xf32> to vector<1024x1024xf32>
      %convert_element_type3A_138 = arith.truncf %get3A_137 : vector<1024x1024xf32> to vector<1024x1024xbf16>
      %swap3A_139 = arith.constant 0 : index
      %swap3A_140 = arith.constant 0 : index
      %swap3A_141 = vector.load %arg12[%swap3A_139, %swap3A_140] : memref<4096x1024xbf16, #tpu.memory_space<vmem>>, vector<1024x1024xbf16>
      tpu.vector_store %arg12[%swap3A_139, %swap3A_140], %convert_element_type3A_138 {strides = array<i32>} : memref<4096x1024xbf16, #tpu.memory_space<vmem>>, vector<1024x1024xbf16>,
      %dma_start3A_142 = arith.constant 0 : i32
      %dma_start3A_143 = arith.constant 0 : i32
      %dma_start3A_144 = tpu.memref_slice %arg15[%dma_start3A_143] : memref<2x!tpu.dma_semaphore, #tpu.memory_space<semaphore_mem>> -> memref<1x!tpu.dma_semaphore, #tpu.memory_space<semaphore_mem>>
      %dma_start3A_145 = tpu.memref_squeeze %dma_start3A_144 : memref<1x!tpu.dma_semaphore, #tpu.memory_space<semaphore_mem>> -> memref<!tpu.dma_semaphore, #tpu.memory_space<semaphore_mem>>
      %dma_start3A_146 = arith.constant 0 : i32
      %dma_start3A_147 = arith.constant 0 : i32
      %dma_start3A_148 = tpu.memref_slice %arg13[%dma_start3A_142, %dma_start3A_146, %dma_start3A_147] : memref<2x1024x1024xf32, #tpu.memory_space<vmem>> -> memref<1x1024x1024xf32, #tpu.memory_space<vmem>>
      %dma_start3A_149 = tpu.memref_squeeze %dma_start3A_148 : memref<1x1024x1024xf32, #tpu.memory_space<vmem>> -> memref<1024x1024xf32, #tpu.memory_space<vmem>>
      %dma_start3A_150 = arith.constant 0 : i32
      %dma_start3A_151 = arith.constant 1024 : i32
      %dma_start3A_152 = tpu.memref_slice %arg7[%dma_start3A_150, %dma_start3A_151] : memref<1024x4096xf32, #tpu.memory_space<any>> -> memref<1024x1024xf32, #tpu.memory_space<any>>
      tpu.enqueue_dma source(%dma_start3A_152 : memref<1024x1024xf32, #tpu.memory_space<any>>) target(%dma_start3A_149 : memref<1024x1024xf32, #tpu.memory_space<vmem>>) target_semaphore(%dma_start3A_145 : memref<!tpu.dma_semaphore, #tpu.memory_space<semaphore_mem>>)
      %dma_wait3A_153 = arith.constant 1 : i32
      %dma_wait3A_154 = arith.constant 1 : i32
      %dma_wait3A_155 = tpu.memref_slice %arg15[%dma_wait3A_154] : memref<2x!tpu.dma_semaphore, #tpu.memory_space<semaphore_mem>> -> memref<1x!tpu.dma_semaphore, #tpu.memory_space<semaphore_mem>>
      %dma_wait3A_156 = tpu.memref_squeeze %dma_wait3A_155 : memref<1x!tpu.dma_semaphore, #tpu.memory_space<semaphore_mem>> -> memref<!tpu.dma_semaphore, #tpu.memory_space<semaphore_mem>>
      %dma_wait3A_157 = arith.constant 0 : i32
      %dma_wait3A_158 = arith.constant 0 : i32
      %dma_wait3A_159 = tpu.memref_slice %arg13[%dma_wait3A_153, %dma_wait3A_157, %dma_wait3A_158] : memref<2x1024x1024xf32, #tpu.memory_space<vmem>> -> memref<1x1024x1024xf32, #tpu.memory_space<vmem>>
      %dma_wait3A_160 = tpu.memref_squeeze %dma_wait3A_159 : memref<1x1024x1024xf32, #tpu.memory_space<vmem>> -> memref<1024x1024xf32, #tpu.memory_space<vmem>>
      %dma_wait3A_161 = arith.constant 0 : i32
      %dma_wait3A_162 = arith.constant 1024 : i32
      %dma_wait3A_163 = tpu.memref_slice %arg6[%dma_wait3A_161, %dma_wait3A_162] : memref<1024x4096xf32, #tpu.memory_space<any>> -> memref<1024x1024xf32, #tpu.memory_space<any>>
      tpu.wait_dma2 semaphore(%dma_wait3A_156 : memref<!tpu.dma_semaphore, #tpu.memory_space<semaphore_mem>>) src(%dma_wait3A_163 : memref<1024x1024xf32, #tpu.memory_space<any>>) dst(%dma_wait3A_160 : memref<1024x1024xf32, #tpu.memory_space<vmem>>)
      %get3A_164 = arith.constant 1 : index
      %get3A_165 = arith.constant 0 : index
      %get3A_166 = arith.constant 0 : index
      %get3A_167 = vector.load %arg13[%get3A_164, %get3A_165, %get3A_166] : memref<2x1024x1024xf32, #tpu.memory_space<vmem>>, vector<1x1024x1024xf32>
      %get3A_168 = vector.shape_cast %get3A_167 : vector<1x1024x1024xf32> to vector<1024x1024xf32>
      %convert_element_type3A_169 = arith.truncf %get3A_168 : vector<1024x1024xf32> to vector<1024x1024xbf16>
      %swap3A_170 = arith.constant 0 : index
      %swap3A_171 = arith.constant 1024 : index
      %swap3A_172 = vector.load %arg10[%swap3A_170, %swap3A_171] : memref<1024x4096xbf16, #tpu.memory_space<vmem>>, vector<1024x1024xbf16>
      tpu.vector_store %arg10[%swap3A_170, %swap3A_171], %convert_element_type3A_169 {strides = array<i32>} : memref<1024x4096xbf16, #tpu.memory_space<vmem>>, vector<1024x1024xbf16>,
      %dma_start3A_173 = arith.constant 1 : i32
      %dma_start3A_174 = arith.constant 1 : i32
      %dma_start3A_175 = tpu.memref_slice %arg15[%dma_start3A_174] : memref<2x!tpu.dma_semaphore, #tpu.memory_space<semaphore_mem>> -> memref<1x!tpu.dma_semaphore, #tpu.memory_space<semaphore_mem>>
      %dma_start3A_176 = tpu.memref_squeeze %dma_start3A_175 : memref<1x!tpu.dma_semaphore, #tpu.memory_space<semaphore_mem>> -> memref<!tpu.dma_semaphore, #tpu.memory_space<semaphore_mem>>
      %dma_start3A_177 = arith.constant 0 : i32
      %dma_start3A_178 = arith.constant 0 : i32
      %dma_start3A_179 = tpu.memref_slice %arg14[%dma_start3A_173, %dma_start3A_177, %dma_start3A_178] : memref<2x1024x1024xf32, #tpu.memory_space<vmem>> -> memref<1x1024x1024xf32, #tpu.memory_space<vmem>>
      %dma_start3A_180 = tpu.memref_squeeze %dma_start3A_179 : memref<1x1024x1024xf32, #tpu.memory_space<vmem>> -> memref<1024x1024xf32, #tpu.memory_space<vmem>>
      %dma_start3A_181 = arith.constant 1024 : i32
      %dma_start3A_182 = arith.constant 0 : i32
      %dma_start3A_183 = tpu.memref_slice %arg8[%dma_start3A_181, %dma_start3A_182] : memref<4096x1024xf32, #tpu.memory_space<any>> -> memref<1024x1024xf32, #tpu.memory_space<any>>
      tpu.enqueue_dma source(%dma_start3A_183 : memref<1024x1024xf32, #tpu.memory_space<any>>) target(%dma_start3A_180 : memref<1024x1024xf32, #tpu.memory_space<vmem>>) target_semaphore(%dma_start3A_176 : memref<!tpu.dma_semaphore, #tpu.memory_space<semaphore_mem>>)
      %dma_wait3A_184 = arith.constant 0 : i32
      %dma_wait3A_185 = arith.constant 0 : i32
      %dma_wait3A_186 = tpu.memref_slice %arg15[%dma_wait3A_185] : memref<2x!tpu.dma_semaphore, #tpu.memory_space<semaphore_mem>> -> memref<1x!tpu.dma_semaphore, #tpu.memory_space<semaphore_mem>>
      %dma_wait3A_187 = tpu.memref_squeeze %dma_wait3A_186 : memref<1x!tpu.dma_semaphore, #tpu.memory_space<semaphore_mem>> -> memref<!tpu.dma_semaphore, #tpu.memory_space<semaphore_mem>>
      %dma_wait3A_188 = arith.constant 0 : i32
      %dma_wait3A_189 = arith.constant 0 : i32
      %dma_wait3A_190 = tpu.memref_slice %arg13[%dma_wait3A_184, %dma_wait3A_188, %dma_wait3A_189] : memref<2x1024x1024xf32, #tpu.memory_space<vmem>> -> memref<1x1024x1024xf32, #tpu.memory_space<vmem>>
      %dma_wait3A_191 = tpu.memref_squeeze %dma_wait3A_190 : memref<1x1024x1024xf32, #tpu.memory_space<vmem>> -> memref<1024x1024xf32, #tpu.memory_space<vmem>>
      %dma_wait3A_192 = arith.constant 0 : i32
      %dma_wait3A_193 = arith.constant 1024 : i32
      %dma_wait3A_194 = tpu.memref_slice %arg7[%dma_wait3A_192, %dma_wait3A_193] : memref<1024x4096xf32, #tpu.memory_space<any>> -> memref<1024x1024xf32, #tpu.memory_space<any>>
      tpu.wait_dma2 semaphore(%dma_wait3A_187 : memref<!tpu.dma_semaphore, #tpu.memory_space<semaphore_mem>>) src(%dma_wait3A_194 : memref<1024x1024xf32, #tpu.memory_space<any>>) dst(%dma_wait3A_191 : memref<1024x1024xf32, #tpu.memory_space<vmem>>)
      %get3A_195 = arith.constant 0 : index
      %get3A_196 = arith.constant 0 : index
      %get3A_197 = arith.constant 0 : index
      %get3A_198 = vector.load %arg13[%get3A_195, %get3A_196, %get3A_197] : memref<2x1024x1024xf32, #tpu.memory_space<vmem>>, vector<1x1024x1024xf32>
      %get3A_199 = vector.shape_cast %get3A_198 : vector<1x1024x1024xf32> to vector<1024x1024xf32>
      %convert_element_type3A_200 = arith.truncf %get3A_199 : vector<1024x1024xf32> to vector<1024x1024xbf16>
      %swap3A_201 = arith.constant 0 : index
      %swap3A_202 = arith.constant 1024 : index
      %swap3A_203 = vector.load %arg11[%swap3A_201, %swap3A_202] : memref<1024x4096xbf16, #tpu.memory_space<vmem>>, vector<1024x1024xbf16>
      tpu.vector_store %arg11[%swap3A_201, %swap3A_202], %convert_element_type3A_200 {strides = array<i32>} : memref<1024x4096xbf16, #tpu.memory_space<vmem>>, vector<1024x1024xbf16>,
      %dma_start3A_204 = arith.constant 0 : i32
      %dma_start3A_205 = arith.constant 0 : i32
      %dma_start3A_206 = tpu.memref_slice %arg15[%dma_start3A_205] : memref<2x!tpu.dma_semaphore, #tpu.memory_space<semaphore_mem>> -> memref<1x!tpu.dma_semaphore, #tpu.memory_space<semaphore_mem>>
      %dma_start3A_207 = tpu.memref_squeeze %dma_start3A_206 : memref<1x!tpu.dma_semaphore, #tpu.memory_space<semaphore_mem>> -> memref<!tpu.dma_semaphore, #tpu.memory_space<semaphore_mem>>
      %dma_start3A_208 = arith.constant 0 : i32
      %dma_start3A_209 = arith.constant 0 : i32
      %dma_start3A_210 = tpu.memref_slice %arg13[%dma_start3A_204, %dma_start3A_208, %dma_start3A_209] : memref<2x1024x1024xf32, #tpu.memory_space<vmem>> -> memref<1x1024x1024xf32, #tpu.memory_space<vmem>>
      %dma_start3A_211 = tpu.memref_squeeze %dma_start3A_210 : memref<1x1024x1024xf32, #tpu.memory_space<vmem>> -> memref<1024x1024xf32, #tpu.memory_space<vmem>>
      %dma_start3A_212 = arith.constant 0 : i32
      %dma_start3A_213 = arith.constant 2048 : i32
      %dma_start3A_214 = tpu.memref_slice %arg6[%dma_start3A_212, %dma_start3A_213] : memref<1024x4096xf32, #tpu.memory_space<any>> -> memref<1024x1024xf32, #tpu.memory_space<any>>
      tpu.enqueue_dma source(%dma_start3A_214 : memref<1024x1024xf32, #tpu.memory_space<any>>) target(%dma_start3A_211 : memref<1024x1024xf32, #tpu.memory_space<vmem>>) target_semaphore(%dma_start3A_207 : memref<!tpu.dma_semaphore, #tpu.memory_space<semaphore_mem>>)
      %dma_wait3A_215 = arith.constant 1 : i32
      %dma_wait3A_216 = arith.constant 1 : i32
      %dma_wait3A_217 = tpu.memref_slice %arg15[%dma_wait3A_216] : memref<2x!tpu.dma_semaphore, #tpu.memory_space<semaphore_mem>> -> memref<1x!tpu.dma_semaphore, #tpu.memory_space<semaphore_mem>>
      %dma_wait3A_218 = tpu.memref_squeeze %dma_wait3A_217 : memref<1x!tpu.dma_semaphore, #tpu.memory_space<semaphore_mem>> -> memref<!tpu.dma_semaphore, #tpu.memory_space<semaphore_mem>>
      %dma_wait3A_219 = arith.constant 0 : i32
      %dma_wait3A_220 = arith.constant 0 : i32
      %dma_wait3A_221 = tpu.memref_slice %arg14[%dma_wait3A_215, %dma_wait3A_219, %dma_wait3A_220] : memref<2x1024x1024xf32, #tpu.memory_space<vmem>> -> memref<1x1024x1024xf32, #tpu.memory_space<vmem>>
      %dma_wait3A_222 = tpu.memref_squeeze %dma_wait3A_221 : memref<1x1024x1024xf32, #tpu.memory_space<vmem>> -> memref<1024x1024xf32, #tpu.memory_space<vmem>>
      %dma_wait3A_223 = arith.constant 1024 : i32
      %dma_wait3A_224 = arith.constant 0 : i32
      %dma_wait3A_225 = tpu.memref_slice %arg8[%dma_wait3A_223, %dma_wait3A_224] : memref<4096x1024xf32, #tpu.memory_space<any>> -> memref<1024x1024xf32, #tpu.memory_space<any>>
      tpu.wait_dma2 semaphore(%dma_wait3A_218 : memref<!tpu.dma_semaphore, #tpu.memory_space<semaphore_mem>>) src(%dma_wait3A_225 : memref<1024x1024xf32, #tpu.memory_space<any>>) dst(%dma_wait3A_222 : memref<1024x1024xf32, #tpu.memory_space<vmem>>)
      %get3A_226 = arith.constant 1 : index
      %get3A_227 = arith.constant 0 : index
      %get3A_228 = arith.constant 0 : index
      %get3A_229 = vector.load %arg14[%get3A_226, %get3A_227, %get3A_228] : memref<2x1024x1024xf32, #tpu.memory_space<vmem>>, vector<1x1024x1024xf32>
      %get3A_230 = vector.shape_cast %get3A_229 : vector<1x1024x1024xf32> to vector<1024x1024xf32>
      %convert_element_type3A_231 = arith.truncf %get3A_230 : vector<1024x1024xf32> to vector<1024x1024xbf16>
      %swap3A_232 = arith.constant 1024 : index
      %swap3A_233 = arith.constant 0 : index
      %swap3A_234 = vector.load %arg12[%swap3A_232, %swap3A_233] : memref<4096x1024xbf16, #tpu.memory_space<vmem>>, vector<1024x1024xbf16>
      tpu.vector_store %arg12[%swap3A_232, %swap3A_233], %convert_element_type3A_231 {strides = array<i32>} : memref<4096x1024xbf16, #tpu.memory_space<vmem>>, vector<1024x1024xbf16>,
      %dma_start3A_235 = arith.constant 1 : i32
      %dma_start3A_236 = arith.constant 1 : i32
      %dma_start3A_237 = tpu.memref_slice %arg15[%dma_start3A_236] : memref<2x!tpu.dma_semaphore, #tpu.memory_space<semaphore_mem>> -> memref<1x!tpu.dma_semaphore, #tpu.memory_space<semaphore_mem>>
      %dma_start3A_238 = tpu.memref_squeeze %dma_start3A_237 : memref<1x!tpu.dma_semaphore, #tpu.memory_space<semaphore_mem>> -> memref<!tpu.dma_semaphore, #tpu.memory_space<semaphore_mem>>
      %dma_start3A_239 = arith.constant 0 : i32
      %dma_start3A_240 = arith.constant 0 : i32
      %dma_start3A_241 = tpu.memref_slice %arg13[%dma_start3A_235, %dma_start3A_239, %dma_start3A_240] : memref<2x1024x1024xf32, #tpu.memory_space<vmem>> -> memref<1x1024x1024xf32, #tpu.memory_space<vmem>>
      %dma_start3A_242 = tpu.memref_squeeze %dma_start3A_241 : memref<1x1024x1024xf32, #tpu.memory_space<vmem>> -> memref<1024x1024xf32, #tpu.memory_space<vmem>>
      %dma_start3A_243 = arith.constant 0 : i32
      %dma_start3A_244 = arith.constant 2048 : i32
      %dma_start3A_245 = tpu.memref_slice %arg7[%dma_start3A_243, %dma_start3A_244] : memref<1024x4096xf32, #tpu.memory_space<any>> -> memref<1024x1024xf32, #tpu.memory_space<any>>
      tpu.enqueue_dma source(%dma_start3A_245 : memref<1024x1024xf32, #tpu.memory_space<any>>) target(%dma_start3A_242 : memref<1024x1024xf32, #tpu.memory_space<vmem>>) target_semaphore(%dma_start3A_238 : memref<!tpu.dma_semaphore, #tpu.memory_space<semaphore_mem>>)
      %dma_wait3A_246 = arith.constant 0 : i32
      %dma_wait3A_247 = arith.constant 0 : i32
      %dma_wait3A_248 = tpu.memref_slice %arg15[%dma_wait3A_247] : memref<2x!tpu.dma_semaphore, #tpu.memory_space<semaphore_mem>> -> memref<1x!tpu.dma_semaphore, #tpu.memory_space<semaphore_mem>>
      %dma_wait3A_249 = tpu.memref_squeeze %dma_wait3A_248 : memref<1x!tpu.dma_semaphore, #tpu.memory_space<semaphore_mem>> -> memref<!tpu.dma_semaphore, #tpu.memory_space<semaphore_mem>>
      %dma_wait3A_250 = arith.constant 0 : i32
      %dma_wait3A_251 = arith.constant 0 : i32
      %dma_wait3A_252 = tpu.memref_slice %arg13[%dma_wait3A_246, %dma_wait3A_250, %dma_wait3A_251] : memref<2x1024x1024xf32, #tpu.memory_space<vmem>> -> memref<1x1024x1024xf32, #tpu.memory_space<vmem>>
      %dma_wait3A_253 = tpu.memref_squeeze %dma_wait3A_252 : memref<1x1024x1024xf32, #tpu.memory_space<vmem>> -> memref<1024x1024xf32, #tpu.memory_space<vmem>>
      %dma_wait3A_254 = arith.constant 0 : i32
      %dma_wait3A_255 = arith.constant 2048 : i32
      %dma_wait3A_256 = tpu.memref_slice %arg6[%dma_wait3A_254, %dma_wait3A_255] : memref<1024x4096xf32, #tpu.memory_space<any>> -> memref<1024x1024xf32, #tpu.memory_space<any>>
      tpu.wait_dma2 semaphore(%dma_wait3A_249 : memref<!tpu.dma_semaphore, #tpu.memory_space<semaphore_mem>>) src(%dma_wait3A_256 : memref<1024x1024xf32, #tpu.memory_space<any>>) dst(%dma_wait3A_253 : memref<1024x1024xf32, #tpu.memory_space<vmem>>)
      %get3A_257 = arith.constant 0 : index
      %get3A_258 = arith.constant 0 : index
      %get3A_259 = arith.constant 0 : index
      %get3A_260 = vector.load %arg13[%get3A_257, %get3A_258, %get3A_259] : memref<2x1024x1024xf32, #tpu.memory_space<vmem>>, vector<1x1024x1024xf32>
      %get3A_261 = vector.shape_cast %get3A_260 : vector<1x1024x1024xf32> to vector<1024x1024xf32>
      %convert_element_type3A_262 = arith.truncf %get3A_261 : vector<1024x1024xf32> to vector<1024x1024xbf16>
      %swap3A_263 = arith.constant 0 : index
      %swap3A_264 = arith.constant 2048 : index
      %swap3A_265 = vector.load %arg10[%swap3A_263, %swap3A_264] : memref<1024x4096xbf16, #tpu.memory_space<vmem>>, vector<1024x1024xbf16>
      tpu.vector_store %arg10[%swap3A_263, %swap3A_264], %convert_element_type3A_262 {strides = array<i32>} : memref<1024x4096xbf16, #tpu.memory_space<vmem>>, vector<1024x1024xbf16>,
      %dma_start3A_266 = arith.constant 0 : i32
      %dma_start3A_267 = arith.constant 0 : i32
      %dma_start3A_268 = tpu.memref_slice %arg15[%dma_start3A_267] : memref<2x!tpu.dma_semaphore, #tpu.memory_space<semaphore_mem>> -> memref<1x!tpu.dma_semaphore, #tpu.memory_space<semaphore_mem>>
      %dma_start3A_269 = tpu.memref_squeeze %dma_start3A_268 : memref<1x!tpu.dma_semaphore, #tpu.memory_space<semaphore_mem>> -> memref<!tpu.dma_semaphore, #tpu.memory_space<semaphore_mem>>
      %dma_start3A_270 = arith.constant 0 : i32
      %dma_start3A_271 = arith.constant 0 : i32
      %dma_start3A_272 = tpu.memref_slice %arg14[%dma_start3A_266, %dma_start3A_270, %dma_start3A_271] : memref<2x1024x1024xf32, #tpu.memory_space<vmem>> -> memref<1x1024x1024xf32, #tpu.memory_space<vmem>>
      %dma_start3A_273 = tpu.memref_squeeze %dma_start3A_272 : memref<1x1024x1024xf32, #tpu.memory_space<vmem>> -> memref<1024x1024xf32, #tpu.memory_space<vmem>>
      %dma_start3A_274 = arith.constant 2048 : i32
      %dma_start3A_275 = arith.constant 0 : i32
      %dma_start3A_276 = tpu.memref_slice %arg8[%dma_start3A_274, %dma_start3A_275] : memref<4096x1024xf32, #tpu.memory_space<any>> -> memref<1024x1024xf32, #tpu.memory_space<any>>
      tpu.enqueue_dma source(%dma_start3A_276 : memref<1024x1024xf32, #tpu.memory_space<any>>) target(%dma_start3A_273 : memref<1024x1024xf32, #tpu.memory_space<vmem>>) target_semaphore(%dma_start3A_269 : memref<!tpu.dma_semaphore, #tpu.memory_space<semaphore_mem>>)
      %dma_wait3A_277 = arith.constant 1 : i32
      %dma_wait3A_278 = arith.constant 1 : i32
      %dma_wait3A_279 = tpu.memref_slice %arg15[%dma_wait3A_278] : memref<2x!tpu.dma_semaphore, #tpu.memory_space<semaphore_mem>> -> memref<1x!tpu.dma_semaphore, #tpu.memory_space<semaphore_mem>>
      %dma_wait3A_280 = tpu.memref_squeeze %dma_wait3A_279 : memref<1x!tpu.dma_semaphore, #tpu.memory_space<semaphore_mem>> -> memref<!tpu.dma_semaphore, #tpu.memory_space<semaphore_mem>>
      %dma_wait3A_281 = arith.constant 0 : i32
      %dma_wait3A_282 = arith.constant 0 : i32
      %dma_wait3A_283 = tpu.memref_slice %arg13[%dma_wait3A_277, %dma_wait3A_281, %dma_wait3A_282] : memref<2x1024x1024xf32, #tpu.memory_space<vmem>> -> memref<1x1024x1024xf32, #tpu.memory_space<vmem>>
      %dma_wait3A_284 = tpu.memref_squeeze %dma_wait3A_283 : memref<1x1024x1024xf32, #tpu.memory_space<vmem>> -> memref<1024x1024xf32, #tpu.memory_space<vmem>>
      %dma_wait3A_285 = arith.constant 0 : i32
      %dma_wait3A_286 = arith.constant 2048 : i32
      %dma_wait3A_287 = tpu.memref_slice %arg7[%dma_wait3A_285, %dma_wait3A_286] : memref<1024x4096xf32, #tpu.memory_space<any>> -> memref<1024x1024xf32, #tpu.memory_space<any>>
      tpu.wait_dma2 semaphore(%dma_wait3A_280 : memref<!tpu.dma_semaphore, #tpu.memory_space<semaphore_mem>>) src(%dma_wait3A_287 : memref<1024x1024xf32, #tpu.memory_space<any>>) dst(%dma_wait3A_284 : memref<1024x1024xf32, #tpu.memory_space<vmem>>)
      %get3A_288 = arith.constant 1 : index
      %get3A_289 = arith.constant 0 : index
      %get3A_290 = arith.constant 0 : index
      %get3A_291 = vector.load %arg13[%get3A_288, %get3A_289, %get3A_290] : memref<2x1024x1024xf32, #tpu.memory_space<vmem>>, vector<1x1024x1024xf32>
      %get3A_292 = vector.shape_cast %get3A_291 : vector<1x1024x1024xf32> to vector<1024x1024xf32>
      %convert_element_type3A_293 = arith.truncf %get3A_292 : vector<1024x1024xf32> to vector<1024x1024xbf16>
      %swap3A_294 = arith.constant 0 : index
      %swap3A_295 = arith.constant 2048 : index
      %swap3A_296 = vector.load %arg11[%swap3A_294, %swap3A_295] : memref<1024x4096xbf16, #tpu.memory_space<vmem>>, vector<1024x1024xbf16>
      tpu.vector_store %arg11[%swap3A_294, %swap3A_295], %convert_element_type3A_293 {strides = array<i32>} : memref<1024x4096xbf16, #tpu.memory_space<vmem>>, vector<1024x1024xbf16>,
      %dma_start3A_297 = arith.constant 1 : i32
      %dma_start3A_298 = arith.constant 1 : i32
      %dma_start3A_299 = tpu.memref_slice %arg15[%dma_start3A_298] : memref<2x!tpu.dma_semaphore, #tpu.memory_space<semaphore_mem>> -> memref<1x!tpu.dma_semaphore, #tpu.memory_space<semaphore_mem>>
      %dma_start3A_300 = tpu.memref_squeeze %dma_start3A_299 : memref<1x!tpu.dma_semaphore, #tpu.memory_space<semaphore_mem>> -> memref<!tpu.dma_semaphore, #tpu.memory_space<semaphore_mem>>
      %dma_start3A_301 = arith.constant 0 : i32
      %dma_start3A_302 = arith.constant 0 : i32
      %dma_start3A_303 = tpu.memref_slice %arg13[%dma_start3A_297, %dma_start3A_301, %dma_start3A_302] : memref<2x1024x1024xf32, #tpu.memory_space<vmem>> -> memref<1x1024x1024xf32, #tpu.memory_space<vmem>>
      %dma_start3A_304 = tpu.memref_squeeze %dma_start3A_303 : memref<1x1024x1024xf32, #tpu.memory_space<vmem>> -> memref<1024x1024xf32, #tpu.memory_space<vmem>>
      %dma_start3A_305 = arith.constant 0 : i32
      %dma_start3A_306 = arith.constant 3072 : i32
      %dma_start3A_307 = tpu.memref_slice %arg6[%dma_start3A_305, %dma_start3A_306] : memref<1024x4096xf32, #tpu.memory_space<any>> -> memref<1024x1024xf32, #tpu.memory_space<any>>
      tpu.enqueue_dma source(%dma_start3A_307 : memref<1024x1024xf32, #tpu.memory_space<any>>) target(%dma_start3A_304 : memref<1024x1024xf32, #tpu.memory_space<vmem>>) target_semaphore(%dma_start3A_300 : memref<!tpu.dma_semaphore, #tpu.memory_space<semaphore_mem>>)
      %dma_wait3A_308 = arith.constant 0 : i32
      %dma_wait3A_309 = arith.constant 0 : i32
      %dma_wait3A_310 = tpu.memref_slice %arg15[%dma_wait3A_309] : memref<2x!tpu.dma_semaphore, #tpu.memory_space<semaphore_mem>> -> memref<1x!tpu.dma_semaphore, #tpu.memory_space<semaphore_mem>>
      %dma_wait3A_311 = tpu.memref_squeeze %dma_wait3A_310 : memref<1x!tpu.dma_semaphore, #tpu.memory_space<semaphore_mem>> -> memref<!tpu.dma_semaphore, #tpu.memory_space<semaphore_mem>>
      %dma_wait3A_312 = arith.constant 0 : i32
      %dma_wait3A_313 = arith.constant 0 : i32
      %dma_wait3A_314 = tpu.memref_slice %arg14[%dma_wait3A_308, %dma_wait3A_312, %dma_wait3A_313] : memref<2x1024x1024xf32, #tpu.memory_space<vmem>> -> memref<1x1024x1024xf32, #tpu.memory_space<vmem>>
      %dma_wait3A_315 = tpu.memref_squeeze %dma_wait3A_314 : memref<1x1024x1024xf32, #tpu.memory_space<vmem>> -> memref<1024x1024xf32, #tpu.memory_space<vmem>>
      %dma_wait3A_316 = arith.constant 2048 : i32
      %dma_wait3A_317 = arith.constant 0 : i32
      %dma_wait3A_318 = tpu.memref_slice %arg8[%dma_wait3A_316, %dma_wait3A_317] : memref<4096x1024xf32, #tpu.memory_space<any>> -> memref<1024x1024xf32, #tpu.memory_space<any>>
      tpu.wait_dma2 semaphore(%dma_wait3A_311 : memref<!tpu.dma_semaphore, #tpu.memory_space<semaphore_mem>>) src(%dma_wait3A_318 : memref<1024x1024xf32, #tpu.memory_space<any>>) dst(%dma_wait3A_315 : memref<1024x1024xf32, #tpu.memory_space<vmem>>)
      %get3A_319 = arith.constant 0 : index
      %get3A_320 = arith.constant 0 : index
      %get3A_321 = arith.constant 0 : index
      %get3A_322 = vector.load %arg14[%get3A_319, %get3A_320, %get3A_321] : memref<2x1024x1024xf32, #tpu.memory_space<vmem>>, vector<1x1024x1024xf32>
      %get3A_323 = vector.shape_cast %get3A_322 : vector<1x1024x1024xf32> to vector<1024x1024xf32>
      %convert_element_type3A_324 = arith.truncf %get3A_323 : vector<1024x1024xf32> to vector<1024x1024xbf16>
      %swap3A_325 = arith.constant 2048 : index
      %swap3A_326 = arith.constant 0 : index
      %swap3A_327 = vector.load %arg12[%swap3A_325, %swap3A_326] : memref<4096x1024xbf16, #tpu.memory_space<vmem>>, vector<1024x1024xbf16>
      tpu.vector_store %arg12[%swap3A_325, %swap3A_326], %convert_element_type3A_324 {strides = array<i32>} : memref<4096x1024xbf16, #tpu.memory_space<vmem>>, vector<1024x1024xbf16>,
      %dma_start3A_328 = arith.constant 0 : i32
      %dma_start3A_329 = arith.constant 0 : i32
      %dma_start3A_330 = tpu.memref_slice %arg15[%dma_start3A_329] : memref<2x!tpu.dma_semaphore, #tpu.memory_space<semaphore_mem>> -> memref<1x!tpu.dma_semaphore, #tpu.memory_space<semaphore_mem>>
      %dma_start3A_331 = tpu.memref_squeeze %dma_start3A_330 : memref<1x!tpu.dma_semaphore, #tpu.memory_space<semaphore_mem>> -> memref<!tpu.dma_semaphore, #tpu.memory_space<semaphore_mem>>
      %dma_start3A_332 = arith.constant 0 : i32
      %dma_start3A_333 = arith.constant 0 : i32
      %dma_start3A_334 = tpu.memref_slice %arg13[%dma_start3A_328, %dma_start3A_332, %dma_start3A_333] : memref<2x1024x1024xf32, #tpu.memory_space<vmem>> -> memref<1x1024x1024xf32, #tpu.memory_space<vmem>>
      %dma_start3A_335 = tpu.memref_squeeze %dma_start3A_334 : memref<1x1024x1024xf32, #tpu.memory_space<vmem>> -> memref<1024x1024xf32, #tpu.memory_space<vmem>>
      %dma_start3A_336 = arith.constant 0 : i32
      %dma_start3A_337 = arith.constant 3072 : i32
      %dma_start3A_338 = tpu.memref_slice %arg7[%dma_start3A_336, %dma_start3A_337] : memref<1024x4096xf32, #tpu.memory_space<any>> -> memref<1024x1024xf32, #tpu.memory_space<any>>
      tpu.enqueue_dma source(%dma_start3A_338 : memref<1024x1024xf32, #tpu.memory_space<any>>) target(%dma_start3A_335 : memref<1024x1024xf32, #tpu.memory_space<vmem>>) target_semaphore(%dma_start3A_331 : memref<!tpu.dma_semaphore, #tpu.memory_space<semaphore_mem>>)
      %dma_wait3A_339 = arith.constant 1 : i32
      %dma_wait3A_340 = arith.constant 1 : i32
      %dma_wait3A_341 = tpu.memref_slice %arg15[%dma_wait3A_340] : memref<2x!tpu.dma_semaphore, #tpu.memory_space<semaphore_mem>> -> memref<1x!tpu.dma_semaphore, #tpu.memory_space<semaphore_mem>>
      %dma_wait3A_342 = tpu.memref_squeeze %dma_wait3A_341 : memref<1x!tpu.dma_semaphore, #tpu.memory_space<semaphore_mem>> -> memref<!tpu.dma_semaphore, #tpu.memory_space<semaphore_mem>>
      %dma_wait3A_343 = arith.constant 0 : i32
      %dma_wait3A_344 = arith.constant 0 : i32
      %dma_wait3A_345 = tpu.memref_slice %arg13[%dma_wait3A_339, %dma_wait3A_343, %dma_wait3A_344] : memref<2x1024x1024xf32, #tpu.memory_space<vmem>> -> memref<1x1024x1024xf32, #tpu.memory_space<vmem>>
      %dma_wait3A_346 = tpu.memref_squeeze %dma_wait3A_345 : memref<1x1024x1024xf32, #tpu.memory_space<vmem>> -> memref<1024x1024xf32, #tpu.memory_space<vmem>>
      %dma_wait3A_347 = arith.constant 0 : i32
      %dma_wait3A_348 = arith.constant 3072 : i32
      %dma_wait3A_349 = tpu.memref_slice %arg6[%dma_wait3A_347, %dma_wait3A_348] : memref<1024x4096xf32, #tpu.memory_space<any>> -> memref<1024x1024xf32, #tpu.memory_space<any>>
      tpu.wait_dma2 semaphore(%dma_wait3A_342 : memref<!tpu.dma_semaphore, #tpu.memory_space<semaphore_mem>>) src(%dma_wait3A_349 : memref<1024x1024xf32, #tpu.memory_space<any>>) dst(%dma_wait3A_346 : memref<1024x1024xf32, #tpu.memory_space<vmem>>)
      %get3A_350 = arith.constant 1 : index
      %get3A_351 = arith.constant 0 : index
      %get3A_352 = arith.constant 0 : index
      %get3A_353 = vector.load %arg13[%get3A_350, %get3A_351, %get3A_352] : memref<2x1024x1024xf32, #tpu.memory_space<vmem>>, vector<1x1024x1024xf32>
      %get3A_354 = vector.shape_cast %get3A_353 : vector<1x1024x1024xf32> to vector<1024x1024xf32>
      %convert_element_type3A_355 = arith.truncf %get3A_354 : vector<1024x1024xf32> to vector<1024x1024xbf16>
      %swap3A_356 = arith.constant 0 : index
      %swap3A_357 = arith.constant 3072 : index
      %swap3A_358 = vector.load %arg10[%swap3A_356, %swap3A_357] : memref<1024x4096xbf16, #tpu.memory_space<vmem>>, vector<1024x1024xbf16>
      tpu.vector_store %arg10[%swap3A_356, %swap3A_357], %convert_element_type3A_355 {strides = array<i32>} : memref<1024x4096xbf16, #tpu.memory_space<vmem>>, vector<1024x1024xbf16>,
      %dma_start3A_359 = arith.constant 1 : i32
      %dma_start3A_360 = arith.constant 1 : i32
      %dma_start3A_361 = tpu.memref_slice %arg15[%dma_start3A_360] : memref<2x!tpu.dma_semaphore, #tpu.memory_space<semaphore_mem>> -> memref<1x!tpu.dma_semaphore, #tpu.memory_space<semaphore_mem>>
      %dma_start3A_362 = tpu.memref_squeeze %dma_start3A_361 : memref<1x!tpu.dma_semaphore, #tpu.memory_space<semaphore_mem>> -> memref<!tpu.dma_semaphore, #tpu.memory_space<semaphore_mem>>
      %dma_start3A_363 = arith.constant 0 : i32
      %dma_start3A_364 = arith.constant 0 : i32
      %dma_start3A_365 = tpu.memref_slice %arg14[%dma_start3A_359, %dma_start3A_363, %dma_start3A_364] : memref<2x1024x1024xf32, #tpu.memory_space<vmem>> -> memref<1x1024x1024xf32, #tpu.memory_space<vmem>>
      %dma_start3A_366 = tpu.memref_squeeze %dma_start3A_365 : memref<1x1024x1024xf32, #tpu.memory_space<vmem>> -> memref<1024x1024xf32, #tpu.memory_space<vmem>>
      %dma_start3A_367 = arith.constant 3072 : i32
      %dma_start3A_368 = arith.constant 0 : i32
      %dma_start3A_369 = tpu.memref_slice %arg8[%dma_start3A_367, %dma_start3A_368] : memref<4096x1024xf32, #tpu.memory_space<any>> -> memref<1024x1024xf32, #tpu.memory_space<any>>
      tpu.enqueue_dma source(%dma_start3A_369 : memref<1024x1024xf32, #tpu.memory_space<any>>) target(%dma_start3A_366 : memref<1024x1024xf32, #tpu.memory_space<vmem>>) target_semaphore(%dma_start3A_362 : memref<!tpu.dma_semaphore, #tpu.memory_space<semaphore_mem>>)
      %dma_wait3A_370 = arith.constant 0 : i32
      %dma_wait3A_371 = arith.constant 0 : i32
      %dma_wait3A_372 = tpu.memref_slice %arg15[%dma_wait3A_371] : memref<2x!tpu.dma_semaphore, #tpu.memory_space<semaphore_mem>> -> memref<1x!tpu.dma_semaphore, #tpu.memory_space<semaphore_mem>>
      %dma_wait3A_373 = tpu.memref_squeeze %dma_wait3A_372 : memref<1x!tpu.dma_semaphore, #tpu.memory_space<semaphore_mem>> -> memref<!tpu.dma_semaphore, #tpu.memory_space<semaphore_mem>>
      %dma_wait3A_374 = arith.constant 0 : i32
      %dma_wait3A_375 = arith.constant 0 : i32
      %dma_wait3A_376 = tpu.memref_slice %arg13[%dma_wait3A_370, %dma_wait3A_374, %dma_wait3A_375] : memref<2x1024x1024xf32, #tpu.memory_space<vmem>> -> memref<1x1024x1024xf32, #tpu.memory_space<vmem>>
      %dma_wait3A_377 = tpu.memref_squeeze %dma_wait3A_376 : memref<1x1024x1024xf32, #tpu.memory_space<vmem>> -> memref<1024x1024xf32, #tpu.memory_space<vmem>>
      %dma_wait3A_378 = arith.constant 0 : i32
      %dma_wait3A_379 = arith.constant 3072 : i32
      %dma_wait3A_380 = tpu.memref_slice %arg7[%dma_wait3A_378, %dma_wait3A_379] : memref<1024x4096xf32, #tpu.memory_space<any>> -> memref<1024x1024xf32, #tpu.memory_space<any>>
      tpu.wait_dma2 semaphore(%dma_wait3A_373 : memref<!tpu.dma_semaphore, #tpu.memory_space<semaphore_mem>>) src(%dma_wait3A_380 : memref<1024x1024xf32, #tpu.memory_space<any>>) dst(%dma_wait3A_377 : memref<1024x1024xf32, #tpu.memory_space<vmem>>)
      %get3A_381 = arith.constant 0 : index
      %get3A_382 = arith.constant 0 : index
      %get3A_383 = arith.constant 0 : index
      %get3A_384 = vector.load %arg13[%get3A_381, %get3A_382, %get3A_383] : memref<2x1024x1024xf32, #tpu.memory_space<vmem>>, vector<1x1024x1024xf32>
      %get3A_385 = vector.shape_cast %get3A_384 : vector<1x1024x1024xf32> to vector<1024x1024xf32>
      %convert_element_type3A_386 = arith.truncf %get3A_385 : vector<1024x1024xf32> to vector<1024x1024xbf16>
      %swap3A_387 = arith.constant 0 : index
      %swap3A_388 = arith.constant 3072 : index
      %swap3A_389 = vector.load %arg11[%swap3A_387, %swap3A_388] : memref<1024x4096xbf16, #tpu.memory_space<vmem>>, vector<1024x1024xbf16>
      tpu.vector_store %arg11[%swap3A_387, %swap3A_388], %convert_element_type3A_386 {strides = array<i32>} : memref<1024x4096xbf16, #tpu.memory_space<vmem>>, vector<1024x1024xbf16>,
      %dma_wait3A_390 = arith.constant 1 : i32
      %dma_wait3A_391 = arith.constant 1 : i32
      %dma_wait3A_392 = tpu.memref_slice %arg15[%dma_wait3A_391] : memref<2x!tpu.dma_semaphore, #tpu.memory_space<semaphore_mem>> -> memref<1x!tpu.dma_semaphore, #tpu.memory_space<semaphore_mem>>
      %dma_wait3A_393 = tpu.memref_squeeze %dma_wait3A_392 : memref<1x!tpu.dma_semaphore, #tpu.memory_space<semaphore_mem>> -> memref<!tpu.dma_semaphore, #tpu.memory_space<semaphore_mem>>
      %dma_wait3A_394 = arith.constant 0 : i32
      %dma_wait3A_395 = arith.constant 0 : i32
      %dma_wait3A_396 = tpu.memref_slice %arg14[%dma_wait3A_390, %dma_wait3A_394, %dma_wait3A_395] : memref<2x1024x1024xf32, #tpu.memory_space<vmem>> -> memref<1x1024x1024xf32, #tpu.memory_space<vmem>>
      %dma_wait3A_397 = tpu.memref_squeeze %dma_wait3A_396 : memref<1x1024x1024xf32, #tpu.memory_space<vmem>> -> memref<1024x1024xf32, #tpu.memory_space<vmem>>
      %dma_wait3A_398 = arith.constant 3072 : i32
      %dma_wait3A_399 = arith.constant 0 : i32
      %dma_wait3A_400 = tpu.memref_slice %arg8[%dma_wait3A_398, %dma_wait3A_399] : memref<4096x1024xf32, #tpu.memory_space<any>> -> memref<1024x1024xf32, #tpu.memory_space<any>>
      tpu.wait_dma2 semaphore(%dma_wait3A_393 : memref<!tpu.dma_semaphore, #tpu.memory_space<semaphore_mem>>) src(%dma_wait3A_400 : memref<1024x1024xf32, #tpu.memory_space<any>>) dst(%dma_wait3A_397 : memref<1024x1024xf32, #tpu.memory_space<vmem>>)
      %get3A_401 = arith.constant 1 : index
      %get3A_402 = arith.constant 0 : index
      %get3A_403 = arith.constant 0 : index
      %get3A_404 = vector.load %arg14[%get3A_401, %get3A_402, %get3A_403] : memref<2x1024x1024xf32, #tpu.memory_space<vmem>>, vector<1x1024x1024xf32>
      %get3A_405 = vector.shape_cast %get3A_404 : vector<1x1024x1024xf32> to vector<1024x1024xf32>
      %convert_element_type3A_406 = arith.truncf %get3A_405 : vector<1024x1024xf32> to vector<1024x1024xbf16>
      %swap3A_407 = arith.constant 3072 : index
      %swap3A_408 = arith.constant 0 : index
      %swap3A_409 = vector.load %arg12[%swap3A_407, %swap3A_408] : memref<4096x1024xbf16, #tpu.memory_space<vmem>>, vector<1024x1024xbf16>
      tpu.vector_store %arg12[%swap3A_407, %swap3A_408], %convert_element_type3A_406 {strides = array<i32>} : memref<4096x1024xbf16, #tpu.memory_space<vmem>>, vector<1024x1024xbf16>,
    } else {
    }
    %get3A_13 = arith.constant 0 : index
    %get3A_14 = arith.constant 0 : index
    %get3A_15 = vector.load %arg2[%get3A_13, %get3A_14] : memref<256x1024xf32, #tpu.memory_space<vmem>>, vector<256x1024xf32>
    %convert_element_type3A_16 = arith.truncf %get3A_15 : vector<256x1024xf32> to vector<256x1024xbf16>
    %get3A_17 = arith.constant 0 : index
    %get3A_18 = arith.constant 0 : index
    %get3A_19 = vector.load %arg10[%get3A_17, %get3A_18] : memref<1024x4096xbf16, #tpu.memory_space<vmem>>, vector<1024x4096xbf16>
    %dot_general3A = arith.constant dense<0.000000e+00> : vector<256x4096xf32>
    %dot_general3A_20 = tpu.matmul %convert_element_type3A_16, %get3A_19, %dot_general3A {dimension_numbers = #tpu.dot_dimension_numbers<[1], [0], [0], [1], [0, 0, 1, 1], [], []>, transpose_lhs_hint = false} : vector<256x1024xbf16>, vector<1024x4096xbf16>, vector<256x4096xf32> -> vector<256x4096xf32>
    %get3A_21 = arith.constant 0 : index
    %get3A_22 = arith.constant 0 : index
    %get3A_23 = vector.load %arg11[%get3A_21, %get3A_22] : memref<1024x4096xbf16, #tpu.memory_space<vmem>>, vector<1024x4096xbf16>
    %dot_general3A_24 = arith.constant dense<0.000000e+00> : vector<256x4096xf32>
    %dot_general3A_25 = tpu.matmul %convert_element_type3A_16, %get3A_23, %dot_general3A_24 {dimension_numbers = #tpu.dot_dimension_numbers<[1], [0], [0], [1], [0, 0, 1, 1], [], []>, transpose_lhs_hint = false} : vector<256x1024xbf16>, vector<1024x4096xbf16>, vector<256x4096xf32> -> vector<256x4096xf32>
    %logistic3A = arith.negf %dot_general3A_20 : vector<256x4096xf32>
    %logistic3A_26 = math.exp %logistic3A : vector<256x4096xf32>
    %logistic3A_27 = arith.constant 1.000000e+00 : f32
    %logistic3A_28 = vector.broadcast %logistic3A_27 : f32 to vector<256x4096xf32>
    %logistic3A_29 = arith.addf %logistic3A_28, %logistic3A_26 : vector<256x4096xf32>
    %logistic3A_30 = arith.divf %logistic3A_28, %logistic3A_29 : vector<256x4096xf32>
    %mul3A = arith.mulf %dot_general3A_20, %logistic3A_30 : vector<256x4096xf32>
    %mul3A_31 = arith.mulf %mul3A, %dot_general3A_25 : vector<256x4096xf32>
    %convert_element_type3A_32 = arith.truncf %mul3A_31 : vector<256x4096xf32> to vector<256x4096xbf16>
    %get3A_33 = arith.constant 0 : index
    %get3A_34 = arith.constant 0 : index
    %get3A_35 = vector.load %arg12[%get3A_33, %get3A_34] : memref<4096x1024xbf16, #tpu.memory_space<vmem>>, vector<4096x1024xbf16>
    %dot_general3A_36 = arith.constant dense<0.000000e+00> : vector<256x1024xf32>
    %dot_general3A_37 = tpu.matmul %convert_element_type3A_32, %get3A_35, %dot_general3A_36 {dimension_numbers = #tpu.dot_dimension_numbers<[1], [0], [0], [1], [0, 0, 1, 1], [], []>, transpose_lhs_hint = false} : vector<256x4096xbf16>, vector<4096x1024xbf16>, vector<256x1024xf32> -> vector<256x1024xf32>
    %swap3A = arith.constant 0 : index
    %swap3A_38 = arith.constant 0 : index
    %swap3A_39 = vector.load %arg9[%swap3A, %swap3A_38] : memref<256x1024xf32, #tpu.memory_space<vmem>>, vector<256x1024xf32>
    tpu.vector_store %arg9[%swap3A, %swap3A_38], %dot_general3A_37 {strides = array<i32>} : memref<256x1024xf32, #tpu.memory_space<vmem>>, vector<256x1024xf32>,
    return
  }
  func.func @transform_0(%arg0: i32, %arg1: memref<1xi32, #tpu.memory_space<smem>>) -> (i32, i32) {
    %c0_i32 = arith.constant 0 : i32
    %c0_i32_0 = arith.constant 0 : i32
    return %arg0, %c0_i32 : i32, i32
  }
  func.func @transform_7(%arg0: i32, %arg1: memref<1xi32, #tpu.memory_space<smem>>) -> (i32, i32) {
    %c0_i32 = arith.constant 0 : i32
    %c0_i32_0 = arith.constant 0 : i32
    return %arg0, %c0_i32 : i32, i32
  }
}

</mosaic_0001>

<sc_bundles>
// kernel: kernel.6.cloned.1.call-start
scs
__scs_entry_jumppad:
0x0: {  	(pc) =	sbr.rel $0x88, $3  }
0x1: {  	(tag) =	ssettag $0x0;
	lr =	simm.s32 $0x1  }
0x2: {  	[smem:$0x3F99] =	sst lr;
	_ =	strace $0xD0000000  }
0x3: {  	_ = 	snop  }
0x4: {  	_ = 	snop  }
0x5: {  	_ = 	snop  }
0x6: {  	_ = 	snop  }
0x7: {  	_ = 	snop  }
__scs_overlays_trampoline_lowered:
0x8: {  	[smem:$0x3FA8] =	sst s0  }
0x9: {  	[smem:$0x3FA9] =	sst s1  }
0xa: {  	[smem:$0x3FAA] =	sst s2  }
0xb: {  	[smem:$0x3FAB] =	sst s3  }
0xc: {  	[smem:$0x3FAC] =	sst s4  }
0xd: {  	[smem:$0x3FAD] =	sst s5  }
0xe: {  	[smem:$0x3FAE] =	sst s6  }
0xf: {  	[smem:$0x3FAF] =	sst s7  }
0x10: {  	[smem:$0x3FB0] =	sst s8  }
0x11: {  	[smem:$0x3FB1] =	sst s9;
	s0 =	simm.s32 @!p0 $0x0  }
0x12: {  	s1 =	sld [smem:$0x3F97];
	s0 =	simm.s32 @p0 $0x1  }
0x13: {  	[smem:$0x3FB2] =	sst s0;
	s0 =	simm.s32 @!p1 $0x0  }
0x14: {  	s2 =	sld [smem:$0x3F96];
	s0 =	simm.s32 @p1 $0x1  }
0x15: {  	[smem:$0x3FB3] =	sst s0;
	s0 =	simm.s32 @!p2 $0x0  }
0x16: {  	s3 =	sld [smem:$0x3FDB];
	s0 =	simm.s32 @p2 $0x1  }
0x17: {  	s4 =	simm.s32 $0x1BF5;
	[smem:$0x3FB5] =	sst s0  }
0x18: {  	s0 =	sld [smem:$0x3F98];
	_ =	swait.ge [sflag:s4], $0x0  }
0x19: {  	s7 =	sld [smem:$0x3F99]  }
0x1a: {  	s8 =	sadd.s32 $0xFFFFE003, lr  }
0x1b: {  	s9 =	sadd.s32 $0xFFFFFEF7, lr;
	s5 =	simm.s32 $0xFFFFFFFF;
	p2 =	slt.u32 s8, $0xFFFFF086  }
0x1c: {  	p1 =	slt.u32 s9, $0xF7A;
	s5 =	simm.s32 @!p2 $0x0  }
0x1d: {  	s5 =	simm.s32 @p1 $0x1;
	p0 =	seq.s32 s7, s2  }
0x1e: {  	s7 =	smul.u32 @!p0 $0xF7A, s2;
	p2 =	seq.s32 @!p0 s5, $0x0  }
0x1f: {  	s9 =	smul.u32 $0xF7A, s1;
	s8 =	simm.s32 @!p0 $0x1BF5;
	p2 =	por !p2, p0  }
0x20: {  	[sflag:s8] =	ssyncset.s32 @!p0 $0xFFFFF086;
	s6 =	sadd.s32 @!p0 s3, s7;
	s7 =	simm.s32 @!p0 $0x108  }
0x21: {  	s3 =	sadd.s32 s3, s9;
	s6 =	sadd.s32 @!p0 $0x88, s6;
	s7 =	simm.s32 @p2 $0x1082  }
0x22: {  	[simem:s7], [sflag:s8] =	dma.local @!p0 [hbm:s6], $0xF7A  }
0x23: {  	s9 =	sor.u32 $0xD0000000, s2;
	s6 =	simm.s32 $0x108;
	_ =	swait.ge @!p0 [sflag:s8], $0x0  }
0x24: {  	s3 =	sadd.s32 $0x88, s3;
	s6 =	simm.s32 @!p1 $0x1082;
	[sflag:s4] =	ssyncset.s32 $0xFFFFF086  }
0x25: {  	[simem:s6], [sflag:s4] =	dma.local [hbm:s3], $0xF7A  }
0x26: {  	[smem:$0x3F99] =	sst s1;
	(tag) =	ssettag s2;
	_ =	strace s9  }
0x27: {  	s1 =	sld [smem:$0x3FA9]  }
0x28: {  	s2 =	sld [smem:$0x3FAA]  }
0x29: {  	s4 =	sld [smem:$0x3FAC]  }
0x2a: {  	p0 =	seq.s32 s5, $0x0;
	s5 =	sld [smem:$0x3FAD]  }
0x2b: {  	s6 =	sld [smem:$0x3FAE]  }
0x2c: {  	s7 =	sld [smem:$0x3FAF]  }
0x2d: {  	s3 =	simm.s32 $0x108;
	s8 =	sld [smem:$0x3FB0]  }
0x2e: {  	s3 =	simm.s32 @!p0 $0x1082;
	s9 =	sld [smem:$0x3FB1]  }
0x2f: {  	lr =	sadd.s32 s0, s3;
	s0 =	sld [smem:$0x3FA8]  }
0x30: {  	s3 =	sld [smem:$0x3FAB]  }
0x31: {  	[smem:$0x3FB4] =	sst s10  }
0x32: {  	s10 =	sld [smem:$0x3FB2];
	_ =	sdelay $0x3  }
0x33: {  	p0 =	seq.s32 s10, $0x1;
	s10 =	sld [smem:$0x3FB4];
	_ =	sdelay $0x3  }
0x34: {  	[smem:$0x3FB4] =	sst s10  }
0x35: {  	s10 =	sld [smem:$0x3FB3];
	_ =	sdelay $0x3  }
0x36: {  	p1 =	seq.s32 s10, $0x1;
	s10 =	sld [smem:$0x3FB4];
	_ =	sdelay $0x3  }
0x37: {  	[smem:$0x3FB4] =	sst s10  }
0x38: {  	s10 =	sld [smem:$0x3FB5]  }
0x39: {  	_ = 	snop;
	(pc) =	sbr.ind lr, $3  }
0x3a: {  	_ = 	snop  }
0x3b: {  	_ = 	snop  }
0x3c: {  	p2 =	seq.s32 s10, $0x1;
	s10 =	sld [smem:$0x3FB4]  }
0x3d: {  	_ =	shalt  }
0x3e: {  	_ =	shalt  }
0x3f: {  	_ =	shalt  }
0x40: {  	_ =	shalt  }
0x41: {  	_ =	shalt  }
0x42: {  	_ =	shalt  }
0x43: {  	_ =	shalt  }
0x44: {  	_ =	shalt  }
0x45: {  	_ =	shalt  }
0x46: {  	_ =	shalt  }
0x47: {  	_ =	shalt  }
0x48: {  	_ =	shalt  }
0x49: {  	_ =	shalt  }
0x4a: {  	_ =	shalt  }
0x4b: {  	_ =	shalt  }
0x4c: {  	_ =	shalt  }
0x4d: {  	_ =	shalt  }
0x4e: {  	_ =	shalt  }
0x4f: {  	_ =	shalt  }
0x50: {  	_ =	shalt  }
0x51: {  	_ =	shalt  }
0x52: {  	_ =	shalt  }
0x53: {  	_ =	shalt  }
0x54: {  	_ =	shalt  }
0x55: {  	_ =	shalt  }
0x56: {  	_ =	shalt  }
0x57: {  	_ =	shalt  }
0x58: {  	_ =	shalt  }
0x59: {  	_ =	shalt  }
0x5a: {  	_ =	shalt  }
0x5b: {  	_ =	shalt  }
0x5c: {  	_ =	shalt  }
0x5d: {  	_ =	shalt  }
0x5e: {  	_ =	shalt  }
0x5f: {  	_ =	shalt  }
0x60: {  	_ =	shalt  }
0x61: {  	_ =	shalt  }
0x62: {  	_ =	shalt  }
0x63: {  	_ =	shalt  }
0x64: {  	_ =	shalt  }
0x65: {  	_ =	shalt  }
0x66: {  	_ =	shalt  }
0x67: {  	_ =	shalt  }
0x68: {  	_ =	shalt  }
0x69: {  	_ =	shalt  }
0x6a: {  	_ =	shalt  }
0x6b: {  	_ =	shalt  }
0x6c: {  	_ =	shalt  }
0x6d: {  	_ =	shalt  }
0x6e: {  	_ =	shalt  }
0x6f: {  	_ =	shalt  }
0x70: {  	_ =	shalt  }
0x71: {  	_ =	shalt  }
0x72: {  	_ =	shalt  }
0x73: {  	_ =	shalt  }
0x74: {  	_ =	shalt  }
0x75: {  	_ =	shalt  }
0x76: {  	_ =	shalt  }
0x77: {  	_ =	shalt  }
0x78: {  	_ =	shalt  }
0x79: {  	_ =	shalt  }
0x7a: {  	_ =	shalt  }
0x7b: {  	_ =	shalt  }
0x7c: {  	_ =	shalt  }
0x7d: {  	_ =	shalt  }
0x7e: {  	_ =	shalt  }
0x7f: {  	_ =	shalt  }
0x80: {  	_ =	shalt  }
0x81: {  	_ =	shalt  }
0x82: {  	_ =	shalt  }
0x83: {  	_ =	shalt  }
0x84: {  	_ =	shalt  }
0x85: {  	_ =	shalt  }
0x86: {  	_ =	shalt  }
0x87: {  	_ =	shalt  }
.Lfunc_end0:
.L_simem_size_0:
called_computation_lowered:
.L_overlay_start_0:
0x88: {  	s2 =	sld [smem:$0x3FD9]  }
0x89: {  	s3 =	sld [smem:$0x3FFE];
	_ =	sdelay $0x1  }
0x8a: {  	s1 =	srdreg.scid  }
0x8b: {  	s0 =	sand.u32 $0x1, s1  }
0x8c: {  	s17 =	sshll.u32 s0, $0xA;
	s2 =	sadd.s32 s3, s2  }
0x8d: {  	s2 =	sadd.s32 s2, s17  }
0x8e: {  	[smem:$0x3FC0] =	sst s2  }
0x8f: {  	_ = 	snop  }
0x90: {  	s2 =	sld [smem:$0x3FC9];
	(tm) =	ssettm $0x1  }
0x91: {  	s18 =	sld [smem:$0x3FFB];
	_ =	sdelay $0x3  }
0x92: {  	_ =	strace s18  }
0x93: {  	s3 =	sld [smem:$0x3FFC];
	_ =	sdelay $0x3  }
0x94: {  	_ =	strace s3  }
0x95: {  	s3 =	sld [smem:$0x3FFD];
	_ =	sdelay $0x3  }
0x96: {  	_ =	strace s3  }
0x97: {  	_ =	strace $0x8FFFFFFF  }
0x98: {  	s19 =	sld [smem:$0x3FDB];
	_ =	sdelay $0x1  }
0x99: {  	s4 =	simm.s32 $_scs_section_size  }
0x9a: {  	s5 =	simm.s32 $_size__tile_overlayer_lowered;
	s6 =	simm.s32 $_tile_overlayer_lowered  }
0x9b: {  	s22 =	simm.s32 $0x1BFF;
	s21 =	sshll.u32 s6, $0x1;
	s3 =	sadd.s32 s4, s19  }
0x9c: {  	s7 =	simm.s32 $0x0;
	s20 =	sshll.u32 s5, $0x1;
	s5 =	sadd.s32 s21, s3  }
0x9d: {  	[timem:s7], [sflag:s22] =	dma.local [hbm:s5], s20  }
0x9e: {  	_ =	swait.ge [sflag:s22], s20  }
0x9f: {  	s4 =	ssub.s32 $0x0, s20;
	[sflag:s22] =	ssyncset.done $0x0  }
0xa0: {  	[sflag:s22] =	ssyncadd.s32 s4;
	_ =	sdelay $0x1  }
0xa1: {  	s23 =	simm.s32 $0x1B8B  }
0xa2: {  	_ =	swait.ge [sflag:s23], $0x1  }
0xa3: {  	[sflag:s23] =	ssyncset.done $0x0  }
0xa4: {  	s25 =	simm.s32 $0x1B8E;
	s24 =	sld [smem:$0x3FFE];
	[sflag:s23] =	ssyncadd.s32 $0xFFFFFFFF  }
0xa5: {  	s26 =	simm.s32 $execute0_lowered;
	[smem:$0x3FD2] =	sst s25  }
0xa6: {  	s5 =	sshll.u32 s26, $0x1;
	_ =	strace $0x80000046;
	[dreg:$0x1] =	wrdreg $0xFFFFFFFF  }
0xa7: {  	s28 =	simm.s32 $_size_execute0_lowered;
	s3 =	sadd.s32 s3, s5;
	[dreg:$0x0] =	wrdreg $0x0  }
0xa8: {  	s5 =	sshll.u32 s28, $0x1;
	[dreg:$0x2] =	wrdreg s3  }
0xa9: {  	[dreg:$0x3] =	wrdreg s5  }
0xaa: {  	[dreg:$0x4] =	wrdreg $0xC0  }
0xab: {  	_ =	task [dreg:s7], $0x5FFFF  }
0xac: {  	[dreg:$0x1] =	wrdreg $0xFFFFFFFF  }
0xad: {  	[dreg:$0x0] =	wrdreg $0x60  }
0xae: {  	[dreg:$0x2] =	wrdreg s2  }
0xaf: {  	[dreg:$0x3] =	wrdreg s24  }
0xb0: {  	[dreg:$0x4] =	wrdreg $0x9  }
0xb1: {  	_ =	task.clear_ibuf [dreg:s7], $0x5FFFF;
	_ =	strace $0x90000046  }
0xb2: {  	s29 =	simm.s32 $0x9;
	_ =	strace $0x80000048  }
0xb3: {  	_ =	swait.ge [sflag:s29], $0x1  }
0xb4: {  	[sflag:s29] =	ssyncadd.s32 $0xFFFFFFFF  }
0xb5: {  	_ =	strace $0x90000048  }
0xb6: {  	_ =	sfence  }
0xb7: {  	s30 =	sld [smem:$0x0];
	_ =	sdelay $0x2  }
0xb8: {  	s31 =	sshll.u32 s1, $0xD;
	s1 =	sshrl.u32 s1, $0x2  }
0xb9: {  	s3 =	sand.u32 $0x4000, s31;
	s1 =	sadd.s32 s1, s30  }
0xba: {  	s0 =	sor.u32 s3, s0;
	s1 =	sshll.u32 s1, $0x11  }
0xbb: {  	s0 =	sor.u32 s1, s0  }
0xbc: {  	s0 =	sadd.s32 $0x8F2B, s0  }
0xbd: {  	[sflag:s0] =	ssyncadd.remote.s32 $0x1  }
0xbe: {  	_ =	sfence.sel $0xFFFF  }
0xbf: {  	[dreg:$0x0] =	wrdreg $0xFFFFFFFF;
	(pc) =	sbr.abs _section_cstart, $3  }
0xc0: {  	[dreg:$0x1] =	wrdreg $0xFFFFFFFF  }
0xc1: {  	_ =	task.clear_ibuf [dreg:s7], $0x2FFFF;
	_ =	strace $0x9FFFFFFF  }
0xc2: {  	(tm) =	ssettm $0x7FFFFFFF  }
0xc3: {  	_ =	shalt  }
tec
execute0_lowered:
.L_overlay_start_1:
0x0: {  	(tag) =	ssettag $0x1  }
0x1: {  	s24 =	rddreg [dreg:$0x0]  }
0x2: {  	s0 =	rddreg [dreg:$0x1];
	s2 =	simm.s32 $0x0;
	s1 =	srdreg.scid  }
0x3: {  	s5 =	stileid.u32;
	s11 =	simm.s32 $0x2;
	s12 =	simm.s32 $0x80  }
0x4: {  	s28 =	simm.s32 $0x7880;
	s29 =	simm.s32 $0x8080;
	s30 =	simm.s32 $0x8880  }
0x5: {  	s31 =	simm.s32 $0x9080;
	s10 =	simm.s32 $0xA880;
	s13 =	simm.s32 $0xB880  }
0x6: {  	s14 =	simm.s32 $0xC080;
	s15 =	simm.s32 $0xC880;
	s16 =	simm.s32 $0xD080  }
0x7: {  	s17 =	simm.s32 $0xD880;
	s18 =	simm.s32 $0xE080;
	s19 =	simm.s32 $0xE880  }
0x8: {  	s20 =	simm.s32 $0xF080;
	s21 =	simm.s32 $0xF880;
	s22 =	simm.s32 $0x1  }
0x9: {  	s25 =	simm.s32 $0x0;
	[smem:$0x7FF] =	sst s2;
	s1 =	sand.u32 $0x1, s1  }
0xa: {  	s4 =	sadd.s32 $0xC00, s0;
	s7 =	sshll.u32 s5, $0x8;
	s5 =	sadd.s32 $0xE00, s0  }
0xb: {  	s8 =	sadd.s32 $0x1000, s0;
	s9 =	sadd.s32 $0x1100, s0;
	s3 =	ssub.s32 $0x2, s1  }
0xc: {  	_ =	strace $0x80000047;
	s1 =	sshll.u32 s1, $0x7;
	s6 =	sshrl.u32 s3, $0x1  }
0xd: {  	v2 =	vlaneseq.u32;
	s3 =	ssub.s32 s3, s6;
	s6 =	sor.u32 s1, s7;
	s7 =	sadd.s32 $0xF00, s0  }
0xe: {  	vm0 =	vmmov $0xffff;
	v1 =	vshrl.u32 v2, $0x3;
	s0 =	simm.s32 $0x9880;
	s1 =	simm.s32 $0xB080;
	s26 =	smax.u32 s3, $0x1  }
0xf: {  	v0 =	vand.u32 $0x7, v2;
	v2 =	vor.u32 $0x8, v2;
	v1 =	vmul.u32 $0x8, v1;
	s3 =	simm.s32 $0xA080;
	[dreg:$0x3] =	wrdreg s26;
	s26 =	simm.s32 $0x7080  }
.LBB2_1:
0x10: {  	[dreg:$0x4] =	wrdreg s25;
	p0 =	por $0x1, $0x1;
	s23 =	simm.s32 $0x0  }
.LBB2_2:
0x11: {  	s23 =	sor.u32 s6, s23  }
0x12: {  	s25 =	smov.u32 s24;
	s24 =	sshrl.u32 s23, $0x3  }
0x13: {  	s24 =	sadd.s32 s4, s24  }
0x14: {  	[tilespmem:s2], [sflag:$0x2] =	stream.linear.gather [hbm4b:s24+s2], $0x40, $0x38;
	[tilespmem:$0x10080] =	vst v63  }
0x15: {  	_ =	swait.ge [sflag:s11], $0x40  }
0x16: {  	s23 =	sshll.u32 s23, $0x7;
	s24 =	smov.u32 s25;
	[sflag:s11] =	ssyncset.done $0x0  }
0x17: {  	s23 =	sadd.s32 s24, s23;
	[sflag:s11] =	ssyncadd.s32 $0xFFFFFFC0  }
0x18: {  	[tilespmem:s12], [sflag:$0x2] =	stream.linear.gather [hbm4b:s23+s2], $0x10000, $0x38;
	[tilespmem:$0x10080] =	vst v63  }
0x19: {  	_ =	swait.ge [sflag:s11], $0x10000  }
0x1a: {  	[sflag:s11] =	ssyncset.done $0x0  }
0x1b: {  	[sflag:s11] =	ssyncadd.s32 $0xFFFF0000  }
0x1c: {  	v3 =	vld [tilespmem:$0x0];
	_ =	sdelay $0x4  }
0x1d: {  	v4 =	vshll.u32 v3, $0x3  }
0x1e: {  	v3 =	vand.u32 $0x7, v3;
	v4 =	vand.u32 $0xFFFFFFC0, v4  }
0x1f: {  	v3 =	vor.u32 v3, v4  }
0x20: {  	v4 =	vperm.xlane v3, v0;
	_ =	sdelay $0x1  }
0x21: {  	v4 =	vadd.s32 v1, v4;
	_ =	sdelay $0x4  }
0x22: {  	[hbm4b:s5+s2] =	stream.indirect_vreg.scatter [tilespmem:s12], [sflag:$0x1], $0x80, v4, vm0, $0xb8;
	[tilespmem:$0x10080] =	vst v63  }
0x23: {  	s25 =	simm.s32 $0x880;
	v3 =	vperm.xlane v3, v2  }
0x24: {  	[hbm4b:s7+s2] =	stream.indirect_vreg.scatter [tilespmem:s25], [sflag:$0x1], $0x80, v4, vm0, $0xb8;
	[tilespmem:$0x10080] =	vst v63  }
0x25: {  	s23 =	simm.s32 $0x1080;
	v3 =	vadd.s32 v1, v3  }
0x26: {  	[hbm4b:s8+s2] =	stream.indirect_vreg.scatter [tilespmem:s23], [sflag:$0x1], $0x80, v4, vm0, $0xb8;
	[tilespmem:$0x10080] =	vst v63  }
0x27: {  	s25 =	simm.s32 $0x1880  }
0x28: {  	[hbm4b:s9+s2] =	stream.indirect_vreg.scatter [tilespmem:s25], [sflag:$0x1], $0x80, v4, vm0, $0xb8;
	[tilespmem:$0x10080] =	vst v63  }
0x29: {  	s23 =	simm.s32 $0x2080  }
0x2a: {  	[hbm4b:s5+s2] =	stream.indirect_vreg.scatter [tilespmem:s23], [sflag:$0x1], $0x80, v3, vm0, $0xb8;
	[tilespmem:$0x10080] =	vst v63  }
0x2b: {  	s25 =	simm.s32 $0x2880  }
0x2c: {  	[hbm4b:s7+s2] =	stream.indirect_vreg.scatter [tilespmem:s25], [sflag:$0x1], $0x80, v3, vm0, $0xb8;
	[tilespmem:$0x10080] =	vst v63  }
0x2d: {  	s23 =	simm.s32 $0x3080  }
0x2e: {  	[hbm4b:s8+s2] =	stream.indirect_vreg.scatter [tilespmem:s23], [sflag:$0x1], $0x80, v3, vm0, $0xb8;
	[tilespmem:$0x10080] =	vst v63  }
0x2f: {  	s25 =	simm.s32 $0x3880  }
0x30: {  	[hbm4b:s9+s2] =	stream.indirect_vreg.scatter [tilespmem:s25], [sflag:$0x1], $0x80, v3, vm0, $0xb8;
	[tilespmem:$0x10080] =	vst v63  }
0x31: {  	v3 =	vld [tilespmem:$0x10];
	_ =	sdelay $0x4  }
0x32: {  	v61 =	vshll.u32 v3, $0x3  }
0x33: {  	v3 =	vand.u32 $0x7, v3;
	v4 =	vand.u32 $0xFFFFFFC0, v61  }
0x34: {  	v3 =	vor.u32 v3, v4  }
0x35: {  	v4 =	vperm.xlane v3, v0;
	_ =	sdelay $0x1  }
0x36: {  	v4 =	vadd.s32 v1, v4;
	_ =	sdelay $0x3  }
0x37: {  	s23 =	simm.s32 $0x4080  }
0x38: {  	[hbm4b:s5+s2] =	stream.indirect_vreg.scatter [tilespmem:s23], [sflag:$0x1], $0x80, v4, vm0, $0xb8;
	[tilespmem:$0x10080] =	vst v63  }
0x39: {  	s25 =	simm.s32 $0x4880;
	v3 =	vperm.xlane v3, v2  }
0x3a: {  	[hbm4b:s7+s2] =	stream.indirect_vreg.scatter [tilespmem:s25], [sflag:$0x1], $0x80, v4, vm0, $0xb8;
	[tilespmem:$0x10080] =	vst v63  }
0x3b: {  	v3 =	vadd.s32 v1, v3;
	s23 =	simm.s32 $0x5080  }
0x3c: {  	[hbm4b:s8+s2] =	stream.indirect_vreg.scatter [tilespmem:s23], [sflag:$0x1], $0x80, v4, vm0, $0xb8;
	[tilespmem:$0x10080] =	vst v63  }
0x3d: {  	s25 =	simm.s32 $0x5880  }
0x3e: {  	[hbm4b:s9+s2] =	stream.indirect_vreg.scatter [tilespmem:s25], [sflag:$0x1], $0x80, v4, vm0, $0xb8;
	[tilespmem:$0x10080] =	vst v63  }
0x3f: {  	s23 =	simm.s32 $0x6080  }
0x40: {  	[hbm4b:s5+s2] =	stream.indirect_vreg.scatter [tilespmem:s23], [sflag:$0x1], $0x80, v3, vm0, $0xb8;
	[tilespmem:$0x10080] =	vst v63  }
0x41: {  	s25 =	simm.s32 $0x6880  }
0x42: {  	[hbm4b:s7+s2] =	stream.indirect_vreg.scatter [tilespmem:s25], [sflag:$0x1], $0x80, v3, vm0, $0xb8;
	[tilespmem:$0x10080] =	vst v63  }
0x43: {  	_ = 	snop  }
0x44: {  	[hbm4b:s8+s2] =	stream.indirect_vreg.scatter [tilespmem:s26], [sflag:$0x1], $0x80, v3, vm0, $0xb8;
	[tilespmem:$0x10080] =	vst v63  }
0x45: {  	_ = 	snop  }
0x46: {  	[hbm4b:s9+s2] =	stream.indirect_vreg.scatter [tilespmem:s28], [sflag:$0x1], $0x80, v3, vm0, $0xb8;
	[tilespmem:$0x10080] =	vst v63  }
0x47: {  	v3 =	vld [tilespmem:$0x20];
	_ =	sdelay $0x4  }
0x48: {  	v62 =	vshll.u32 v3, $0x3  }
0x49: {  	v3 =	vand.u32 $0x7, v3;
	v4 =	vand.u32 $0xFFFFFFC0, v62  }
0x4a: {  	v3 =	vor.u32 v3, v4  }
0x4b: {  	v4 =	vperm.xlane v3, v0;
	_ =	sdelay $0x1  }
0x4c: {  	v4 =	vadd.s32 v1, v4;
	_ =	sdelay $0x4  }
0x4d: {  	[hbm4b:s5+s2] =	stream.indirect_vreg.scatter [tilespmem:s29], [sflag:$0x1], $0x80, v4, vm0, $0xb8;
	[tilespmem:$0x10080] =	vst v63  }
0x4e: {  	v3 =	vperm.xlane v3, v2  }
0x4f: {  	[hbm4b:s7+s2] =	stream.indirect_vreg.scatter [tilespmem:s30], [sflag:$0x1], $0x80, v4, vm0, $0xb8;
	[tilespmem:$0x10080] =	vst v63  }
0x50: {  	v3 =	vadd.s32 v1, v3  }
0x51: {  	[hbm4b:s8+s2] =	stream.indirect_vreg.scatter [tilespmem:s31], [sflag:$0x1], $0x80, v4, vm0, $0xb8;
	[tilespmem:$0x10080] =	vst v63  }
0x52: {  	_ = 	snop  }
0x53: {  	[hbm4b:s9+s2] =	stream.indirect_vreg.scatter [tilespmem:s0], [sflag:$0x1], $0x80, v4, vm0, $0xb8;
	[tilespmem:$0x10080] =	vst v63  }
0x54: {  	_ = 	snop  }
0x55: {  	[hbm4b:s5+s2] =	stream.indirect_vreg.scatter [tilespmem:s3], [sflag:$0x1], $0x80, v3, vm0, $0xb8;
	[tilespmem:$0x10080] =	vst v63  }
0x56: {  	_ = 	snop  }
0x57: {  	[hbm4b:s7+s2] =	stream.indirect_vreg.scatter [tilespmem:s10], [sflag:$0x1], $0x80, v3, vm0, $0xb8;
	[tilespmem:$0x10080] =	vst v63  }
0x58: {  	_ = 	snop  }
0x59: {  	[hbm4b:s8+s2] =	stream.indirect_vreg.scatter [tilespmem:s1], [sflag:$0x1], $0x80, v3, vm0, $0xb8;
	[tilespmem:$0x10080] =	vst v63  }
0x5a: {  	_ = 	snop  }
0x5b: {  	[hbm4b:s9+s2] =	stream.indirect_vreg.scatter [tilespmem:s13], [sflag:$0x1], $0x80, v3, vm0, $0xb8;
	[tilespmem:$0x10080] =	vst v63  }
0x5c: {  	v3 =	vld [tilespmem:$0x30];
	_ =	sdelay $0x4  }
0x5d: {  	v63 =	vshll.u32 v3, $0x3  }
0x5e: {  	v3 =	vand.u32 $0x7, v3;
	v4 =	vand.u32 $0xFFFFFFC0, v63  }
0x5f: {  	v3 =	vor.u32 v3, v4  }
0x60: {  	v4 =	vperm.xlane v3, v0;
	_ =	sdelay $0x1  }
0x61: {  	v4 =	vadd.s32 v1, v4;
	_ =	sdelay $0x4  }
0x62: {  	[hbm4b:s5+s2] =	stream.indirect_vreg.scatter [tilespmem:s14], [sflag:$0x1], $0x80, v4, vm0, $0xb8;
	[tilespmem:$0x10080] =	vst v63  }
0x63: {  	v3 =	vperm.xlane v3, v2  }
0x64: {  	[hbm4b:s7+s2] =	stream.indirect_vreg.scatter [tilespmem:s15], [sflag:$0x1], $0x80, v4, vm0, $0xb8;
	[tilespmem:$0x10080] =	vst v63  }
0x65: {  	v3 =	vadd.s32 v1, v3  }
0x66: {  	[hbm4b:s8+s2] =	stream.indirect_vreg.scatter [tilespmem:s16], [sflag:$0x1], $0x80, v4, vm0, $0xb8;
	[tilespmem:$0x10080] =	vst v63  }
0x67: {  	_ = 	snop  }
0x68: {  	[hbm4b:s9+s2] =	stream.indirect_vreg.scatter [tilespmem:s17], [sflag:$0x1], $0x80, v4, vm0, $0xb8;
	[tilespmem:$0x10080] =	vst v63  }
0x69: {  	_ = 	snop  }
0x6a: {  	[hbm4b:s5+s2] =	stream.indirect_vreg.scatter [tilespmem:s18], [sflag:$0x1], $0x80, v3, vm0, $0xb8;
	[tilespmem:$0x10080] =	vst v63  }
0x6b: {  	_ = 	snop  }
0x6c: {  	[hbm4b:s7+s2] =	stream.indirect_vreg.scatter [tilespmem:s19], [sflag:$0x1], $0x80, v3, vm0, $0xb8;
	[tilespmem:$0x10080] =	vst v63  }
0x6d: {  	p1 =	por p0, p0  }
0x6e: {  	[hbm4b:s8+s2] =	stream.indirect_vreg.scatter [tilespmem:s20], [sflag:$0x1], $0x80, v3, vm0, $0xb8;
	[tilespmem:$0x10080] =	vst v63  }
.Ltmp0:
0x6f: {  	_ = 	snop;
	(pc) =	sbr.rel @p1 .LBB2_2-.Ltmp0, $4  }
0x70: {  	[hbm4b:s9+s2] =	stream.indirect_vreg.scatter [tilespmem:s21], [sflag:$0x1], $0x80, v3, vm0, $0xb8;
	[tilespmem:$0x10080] =	vst v63  }
0x71: {  	_ =	swait.ge [sflag:s22], $0x10000  }
0x72: {  	[sflag:s22] =	ssyncset.done $0x0  }
0x73: {  	p0 =	por $0x0, $0x0;
	s23 =	simm.s32 $0x40;
	[sflag:s22] =	ssyncadd.s32 $0xFFFF0000  }
0x74: {  	s25 =	rddreg [dreg:$0x4]  }
0x75: {  	s23 =	rddreg [dreg:$0x3];
	s25 =	sadd.s32 $0x1, s25  }
0x76: {  	p0 =	sne.s32 s25, s23  }
.Ltmp1:
0x77: {  	_ = 	snop;
	(pc) =	sbr.rel @p0 .LBB2_1-.Ltmp1, $1  }
0x78: {  	_ =	sdelay $0x3  }
0x79: {  	_ =	sfence.sel $0x180000  }
0x7a: {  	[bflag:$0x0] =	sbarrier.arrive $0xFFFF  }
0x7b: {  	_ =	strace $0x90000047  }
0x7c: {  	s0 =	stileid.u32;
	[bflag:$0x2] =	sbarrier.arrive $0xFFFF  }
0x7d: {  	p0 =	sne.s32 s0, $0x0;
	s0 =	rddreg [dreg:$0x2]  }
0x7e: {  	s0 =	sadd.s32 @!p0 $0x100000, s0  }
0x7f: {  	[sflag:s0] =	ssyncadd.tile.s32 @!p0 $0x1;
	_ =	shalt  }
.Lfunc_end2:
_tile_overlayer_lowered:
.L_overlay_start_2:
0x80: {  	(tag) =	ssettag $0x2  }
0x81: {  	s0 =	rddreg [dreg:$0x0];
	s2 =	stileid.u32  }
0x82: {  	s1 =	rddreg [dreg:$0x1];
	p0 =	sne.s32 s2, $0x0  }
0x83: {  	s3 =	rddreg [dreg:$0x2];
	[bflag:$0x3] =	sbarrier.arrive $0xFFFF;
	s2 =	simm.s32 @!p0 $0x1C02  }
0x84: {  	[timem:s3], [sflag:s2] =	dma.local @!p0 [hbm:s0], s1  }
0x85: {  	s0 =	simm.s32 @!p0 $0x2  }
0x86: {  	_ =	swait.ge @!p0 [sflag:s0], s1  }
0x87: {  	s1 =	ssub.s32 @!p0 $0x0, s1;
	[sflag:s0] =	ssyncset.done @!p0 $0x0  }
0x88: {  	[sflag:s0] =	ssyncadd.s32 @!p0 s1  }
0x89: {  	[bflag:$0x3] =	sbarrier.arrive $0xFFFF  }
0x8a: {  	_ =	shalt  }

// kernel: kernel.9.cloned.1.call-start
scs
__scs_entry_jumppad:
0x0: {  	(pc) =	sbr.rel $0x88, $3  }
0x1: {  	(tag) =	ssettag $0x0;
	lr =	simm.s32 $0x1  }
0x2: {  	[smem:$0x3F99] =	sst lr;
	_ =	strace $0xD0000000  }
0x3: {  	_ = 	snop  }
0x4: {  	_ = 	snop  }
0x5: {  	_ = 	snop  }
0x6: {  	_ = 	snop  }
0x7: {  	_ = 	snop  }
__scs_overlays_trampoline_lowered:
0x8: {  	[smem:$0x3FA8] =	sst s0  }
0x9: {  	[smem:$0x3FA9] =	sst s1  }
0xa: {  	[smem:$0x3FAA] =	sst s2  }
0xb: {  	[smem:$0x3FAB] =	sst s3  }
0xc: {  	[smem:$0x3FAC] =	sst s4  }
0xd: {  	[smem:$0x3FAD] =	sst s5  }
0xe: {  	[smem:$0x3FAE] =	sst s6  }
0xf: {  	[smem:$0x3FAF] =	sst s7  }
0x10: {  	[smem:$0x3FB0] =	sst s8  }
0x11: {  	[smem:$0x3FB1] =	sst s9;
	s0 =	simm.s32 @!p0 $0x0  }
0x12: {  	s1 =	sld [smem:$0x3F97];
	s0 =	simm.s32 @p0 $0x1  }
0x13: {  	[smem:$0x3FB2] =	sst s0;
	s0 =	simm.s32 @!p1 $0x0  }
0x14: {  	s2 =	sld [smem:$0x3F96];
	s0 =	simm.s32 @p1 $0x1  }
0x15: {  	[smem:$0x3FB3] =	sst s0;
	s0 =	simm.s32 @!p2 $0x0  }
0x16: {  	s3 =	sld [smem:$0x3FDB];
	s0 =	simm.s32 @p2 $0x1  }
0x17: {  	s4 =	simm.s32 $0x1BF5;
	[smem:$0x3FB5] =	sst s0  }
0x18: {  	s0 =	sld [smem:$0x3F98];
	_ =	swait.ge [sflag:s4], $0x0  }
0x19: {  	s7 =	sld [smem:$0x3F99]  }
0x1a: {  	s8 =	sadd.s32 $0xFFFFE003, lr  }
0x1b: {  	s9 =	sadd.s32 $0xFFFFFEF7, lr;
	s5 =	simm.s32 $0xFFFFFFFF;
	p2 =	slt.u32 s8, $0xFFFFF086  }
0x1c: {  	p1 =	slt.u32 s9, $0xF7A;
	s5 =	simm.s32 @!p2 $0x0  }
0x1d: {  	s5 =	simm.s32 @p1 $0x1;
	p0 =	seq.s32 s7, s2  }
0x1e: {  	s7 =	smul.u32 @!p0 $0xF7A, s2;
	p2 =	seq.s32 @!p0 s5, $0x0  }
0x1f: {  	s9 =	smul.u32 $0xF7A, s1;
	s8 =	simm.s32 @!p0 $0x1BF5;
	p2 =	por !p2, p0  }
0x20: {  	[sflag:s8] =	ssyncset.s32 @!p0 $0xFFFFF086;
	s6 =	sadd.s32 @!p0 s3, s7;
	s7 =	simm.s32 @!p0 $0x108  }
0x21: {  	s3 =	sadd.s32 s3, s9;
	s6 =	sadd.s32 @!p0 $0x88, s6;
	s7 =	simm.s32 @p2 $0x1082  }
0x22: {  	[simem:s7], [sflag:s8] =	dma.local @!p0 [hbm:s6], $0xF7A  }
0x23: {  	s9 =	sor.u32 $0xD0000000, s2;
	s6 =	simm.s32 $0x108;
	_ =	swait.ge @!p0 [sflag:s8], $0x0  }
0x24: {  	s3 =	sadd.s32 $0x88, s3;
	s6 =	simm.s32 @!p1 $0x1082;
	[sflag:s4] =	ssyncset.s32 $0xFFFFF086  }
0x25: {  	[simem:s6], [sflag:s4] =	dma.local [hbm:s3], $0xF7A  }
0x26: {  	[smem:$0x3F99] =	sst s1;
	(tag) =	ssettag s2;
	_ =	strace s9  }
0x27: {  	s1 =	sld [smem:$0x3FA9]  }
0x28: {  	s2 =	sld [smem:$0x3FAA]  }
0x29: {  	s4 =	sld [smem:$0x3FAC]  }
0x2a: {  	p0 =	seq.s32 s5, $0x0;
	s5 =	sld [smem:$0x3FAD]  }
0x2b: {  	s6 =	sld [smem:$0x3FAE]  }
0x2c: {  	s7 =	sld [smem:$0x3FAF]  }
0x2d: {  	s3 =	simm.s32 $0x108;
	s8 =	sld [smem:$0x3FB0]  }
0x2e: {  	s3 =	simm.s32 @!p0 $0x1082;
	s9 =	sld [smem:$0x3FB1]  }
0x2f: {  	lr =	sadd.s32 s0, s3;
	s0 =	sld [smem:$0x3FA8]  }
0x30: {  	s3 =	sld [smem:$0x3FAB]  }
0x31: {  	[smem:$0x3FB4] =	sst s10  }
0x32: {  	s10 =	sld [smem:$0x3FB2];
	_ =	sdelay $0x3  }
0x33: {  	p0 =	seq.s32 s10, $0x1;
	s10 =	sld [smem:$0x3FB4];
	_ =	sdelay $0x3  }
0x34: {  	[smem:$0x3FB4] =	sst s10  }
0x35: {  	s10 =	sld [smem:$0x3FB3];
	_ =	sdelay $0x3  }
0x36: {  	p1 =	seq.s32 s10, $0x1;
	s10 =	sld [smem:$0x3FB4];
	_ =	sdelay $0x3  }
0x37: {  	[smem:$0x3FB4] =	sst s10  }
0x38: {  	s10 =	sld [smem:$0x3FB5]  }
0x39: {  	_ = 	snop;
	(pc) =	sbr.ind lr, $3  }
0x3a: {  	_ = 	snop  }
0x3b: {  	_ = 	snop  }
0x3c: {  	p2 =	seq.s32 s10, $0x1;
	s10 =	sld [smem:$0x3FB4]  }
0x3d: {  	_ =	shalt  }
0x3e: {  	_ =	shalt  }
0x3f: {  	_ =	shalt  }
0x40: {  	_ =	shalt  }
0x41: {  	_ =	shalt  }
0x42: {  	_ =	shalt  }
0x43: {  	_ =	shalt  }
0x44: {  	_ =	shalt  }
0x45: {  	_ =	shalt  }
0x46: {  	_ =	shalt  }
0x47: {  	_ =	shalt  }
0x48: {  	_ =	shalt  }
0x49: {  	_ =	shalt  }
0x4a: {  	_ =	shalt  }
0x4b: {  	_ =	shalt  }
0x4c: {  	_ =	shalt  }
0x4d: {  	_ =	shalt  }
0x4e: {  	_ =	shalt  }
0x4f: {  	_ =	shalt  }
0x50: {  	_ =	shalt  }
0x51: {  	_ =	shalt  }
0x52: {  	_ =	shalt  }
0x53: {  	_ =	shalt  }
0x54: {  	_ =	shalt  }
0x55: {  	_ =	shalt  }
0x56: {  	_ =	shalt  }
0x57: {  	_ =	shalt  }
0x58: {  	_ =	shalt  }
0x59: {  	_ =	shalt  }
0x5a: {  	_ =	shalt  }
0x5b: {  	_ =	shalt  }
0x5c: {  	_ =	shalt  }
0x5d: {  	_ =	shalt  }
0x5e: {  	_ =	shalt  }
0x5f: {  	_ =	shalt  }
0x60: {  	_ =	shalt  }
0x61: {  	_ =	shalt  }
0x62: {  	_ =	shalt  }
0x63: {  	_ =	shalt  }
0x64: {  	_ =	shalt  }
0x65: {  	_ =	shalt  }
0x66: {  	_ =	shalt  }
0x67: {  	_ =	shalt  }
0x68: {  	_ =	shalt  }
0x69: {  	_ =	shalt  }
0x6a: {  	_ =	shalt  }
0x6b: {  	_ =	shalt  }
0x6c: {  	_ =	shalt  }
0x6d: {  	_ =	shalt  }
0x6e: {  	_ =	shalt  }
0x6f: {  	_ =	shalt  }
0x70: {  	_ =	shalt  }
0x71: {  	_ =	shalt  }
0x72: {  	_ =	shalt  }
0x73: {  	_ =	shalt  }
0x74: {  	_ =	shalt  }
0x75: {  	_ =	shalt  }
0x76: {  	_ =	shalt  }
0x77: {  	_ =	shalt  }
0x78: {  	_ =	shalt  }
0x79: {  	_ =	shalt  }
0x7a: {  	_ =	shalt  }
0x7b: {  	_ =	shalt  }
0x7c: {  	_ =	shalt  }
0x7d: {  	_ =	shalt  }
0x7e: {  	_ =	shalt  }
0x7f: {  	_ =	shalt  }
0x80: {  	_ =	shalt  }
0x81: {  	_ =	shalt  }
0x82: {  	_ =	shalt  }
0x83: {  	_ =	shalt  }
0x84: {  	_ =	shalt  }
0x85: {  	_ =	shalt  }
0x86: {  	_ =	shalt  }
0x87: {  	_ =	shalt  }
.Lfunc_end0:
.L_simem_size_0:
called_computation.1_lowered:
.L_overlay_start_0:
0x88: {  	s2 =	sld [smem:$0x3FD9]  }
0x89: {  	s3 =	sld [smem:$0x3FFE];
	_ =	sdelay $0x1  }
0x8a: {  	s1 =	srdreg.scid  }
0x8b: {  	s0 =	sand.u32 $0x1, s1  }
0x8c: {  	s17 =	sshll.u32 s0, $0xA;
	s2 =	sadd.s32 s3, s2  }
0x8d: {  	s2 =	sadd.s32 s2, s17  }
0x8e: {  	[smem:$0x3FC0] =	sst s2  }
0x8f: {  	_ = 	snop  }
0x90: {  	s2 =	sld [smem:$0x3FD0];
	(tm) =	ssettm $0x1  }
0x91: {  	s18 =	sld [smem:$0x3FFB];
	_ =	sdelay $0x3  }
0x92: {  	_ =	strace s18  }
0x93: {  	s3 =	sld [smem:$0x3FFC];
	_ =	sdelay $0x3  }
0x94: {  	_ =	strace s3  }
0x95: {  	s3 =	sld [smem:$0x3FFD];
	_ =	sdelay $0x3  }
0x96: {  	_ =	strace s3  }
0x97: {  	_ =	strace $0x8FFFFFFF  }
0x98: {  	s19 =	sld [smem:$0x3FDB];
	_ =	sdelay $0x1  }
0x99: {  	s4 =	simm.s32 $_scs_section_size  }
0x9a: {  	s5 =	simm.s32 $_size__tile_overlayer_lowered;
	s6 =	simm.s32 $_tile_overlayer_lowered  }
0x9b: {  	s22 =	simm.s32 $0x1BFF;
	s21 =	sshll.u32 s6, $0x1;
	s3 =	sadd.s32 s4, s19  }
0x9c: {  	s7 =	simm.s32 $0x0;
	s20 =	sshll.u32 s5, $0x1;
	s5 =	sadd.s32 s21, s3  }
0x9d: {  	[timem:s7], [sflag:s22] =	dma.local [hbm:s5], s20  }
0x9e: {  	_ =	swait.ge [sflag:s22], s20  }
0x9f: {  	s4 =	ssub.s32 $0x0, s20;
	[sflag:s22] =	ssyncset.done $0x0  }
0xa0: {  	[sflag:s22] =	ssyncadd.s32 s4;
	_ =	sdelay $0x1  }
0xa1: {  	s23 =	simm.s32 $0x1B8B  }
0xa2: {  	_ =	swait.ge [sflag:s23], $0x1  }
0xa3: {  	[sflag:s23] =	ssyncset.done $0x0  }
0xa4: {  	s25 =	simm.s32 $0x1B8E;
	s24 =	sld [smem:$0x3FFE];
	[sflag:s23] =	ssyncadd.s32 $0xFFFFFFFF  }
0xa5: {  	s26 =	simm.s32 $execute0_lowered;
	[smem:$0x3FD2] =	sst s25  }
0xa6: {  	s5 =	sshll.u32 s26, $0x1;
	_ =	strace $0x80000049;
	[dreg:$0x1] =	wrdreg $0xFFFFFFFF  }
0xa7: {  	s28 =	simm.s32 $_size_execute0_lowered;
	s3 =	sadd.s32 s3, s5;
	[dreg:$0x0] =	wrdreg $0x0  }
0xa8: {  	s5 =	sshll.u32 s28, $0x1;
	[dreg:$0x2] =	wrdreg s3  }
0xa9: {  	[dreg:$0x3] =	wrdreg s5  }
0xaa: {  	[dreg:$0x4] =	wrdreg $0xC0  }
0xab: {  	_ =	task [dreg:s7], $0x5FFFF  }
0xac: {  	[dreg:$0x1] =	wrdreg $0xFFFFFFFF  }
0xad: {  	[dreg:$0x0] =	wrdreg $0x60  }
0xae: {  	[dreg:$0x2] =	wrdreg s24  }
0xaf: {  	[dreg:$0x3] =	wrdreg s2  }
0xb0: {  	[dreg:$0x4] =	wrdreg $0x9  }
0xb1: {  	_ =	task.clear_ibuf [dreg:s7], $0x5FFFF;
	_ =	strace $0x90000049  }
0xb2: {  	s29 =	simm.s32 $0x9;
	_ =	strace $0x8000004B  }
0xb3: {  	_ =	swait.ge [sflag:s29], $0x1  }
0xb4: {  	[sflag:s29] =	ssyncadd.s32 $0xFFFFFFFF  }
0xb5: {  	_ =	strace $0x9000004B  }
0xb6: {  	_ =	sfence  }
0xb7: {  	s30 =	sld [smem:$0x0];
	_ =	sdelay $0x2  }
0xb8: {  	s31 =	sshll.u32 s1, $0xD;
	s1 =	sshrl.u32 s1, $0x2  }
0xb9: {  	s3 =	sand.u32 $0x4000, s31;
	s1 =	sadd.s32 s1, s30  }
0xba: {  	s0 =	sor.u32 s3, s0;
	s1 =	sshll.u32 s1, $0x11  }
0xbb: {  	s0 =	sor.u32 s1, s0  }
0xbc: {  	s0 =	sadd.s32 $0x8F2B, s0  }
0xbd: {  	[sflag:s0] =	ssyncadd.remote.s32 $0x1  }
0xbe: {  	_ =	sfence.sel $0xFFFF  }
0xbf: {  	[dreg:$0x0] =	wrdreg $0xFFFFFFFF;
	(pc) =	sbr.abs _section_cstart, $3  }
0xc0: {  	[dreg:$0x1] =	wrdreg $0xFFFFFFFF  }
0xc1: {  	_ =	task.clear_ibuf [dreg:s7], $0x2FFFF;
	_ =	strace $0x9FFFFFFF  }
0xc2: {  	(tm) =	ssettm $0x7FFFFFFF  }
0xc3: {  	_ =	shalt  }
tec
execute0_lowered:
.L_overlay_start_1:
0x0: {  	(tag) =	ssettag $0x1  }
0x1: {  	s0 =	rddreg [dreg:$0x0]  }
0x2: {  	s24 =	rddreg [dreg:$0x1];
	s2 =	simm.s32 $0x0;
	s1 =	srdreg.scid  }
0x3: {  	s5 =	stileid.u32;
	s11 =	simm.s32 $0x2;
	s12 =	simm.s32 $0x80  }
0x4: {  	s28 =	simm.s32 $0x7880;
	s29 =	simm.s32 $0x8080;
	s30 =	simm.s32 $0x8880  }
0x5: {  	s31 =	simm.s32 $0x9080;
	s10 =	simm.s32 $0xA880;
	s13 =	simm.s32 $0xB880  }
0x6: {  	s14 =	simm.s32 $0xC080;
	s15 =	simm.s32 $0xC880;
	s16 =	simm.s32 $0xD080  }
0x7: {  	s17 =	simm.s32 $0xD880;
	s18 =	simm.s32 $0xE080;
	s19 =	simm.s32 $0xE880  }
0x8: {  	s20 =	simm.s32 $0xF080;
	s21 =	simm.s32 $0xF880;
	s22 =	simm.s32 $0x1  }
0x9: {  	s25 =	simm.s32 $0x0;
	[smem:$0x7FF] =	sst s2;
	s1 =	sand.u32 $0x1, s1  }
0xa: {  	s4 =	sadd.s32 $0x88E00, s0;
	s7 =	sshll.u32 s5, $0x8;
	s5 =	sadd.s32 $0xC00, s0  }
0xb: {  	s8 =	sadd.s32 $0x89000, s0;
	s9 =	sadd.s32 $0x89100, s0;
	s3 =	ssub.s32 $0x2, s1  }
0xc: {  	_ =	strace $0x8000004A;
	s1 =	sshll.u32 s1, $0x7;
	s6 =	sshrl.u32 s3, $0x1  }
0xd: {  	v2 =	vlaneseq.u32;
	s3 =	ssub.s32 s3, s6;
	s6 =	sor.u32 s1, s7;
	s7 =	sadd.s32 $0x88F00, s0  }
0xe: {  	vm0 =	vmmov $0xffff;
	v1 =	vshrl.u32 v2, $0x3;
	s0 =	simm.s32 $0x9880;
	s1 =	simm.s32 $0xB080;
	s26 =	smax.u32 s3, $0x1  }
0xf: {  	v0 =	vand.u32 $0x7, v2;
	v2 =	vor.u32 $0x8, v2;
	v1 =	vmul.u32 $0x8, v1;
	s3 =	simm.s32 $0xA080;
	[dreg:$0x3] =	wrdreg s26;
	s26 =	simm.s32 $0x7080  }
.LBB2_1:
0x10: {  	[dreg:$0x4] =	wrdreg s25;
	p0 =	por $0x1, $0x1;
	s23 =	simm.s32 $0x0  }
.LBB2_2:
0x11: {  	s23 =	sor.u32 s6, s23  }
0x12: {  	s25 =	smov.u32 s24;
	s24 =	sshrl.u32 s23, $0x3  }
0x13: {  	s24 =	sadd.s32 s5, s24  }
0x14: {  	[tilespmem:s2], [sflag:$0x2] =	stream.linear.gather [hbm4b:s24+s2], $0x40, $0x38;
	[tilespmem:$0x10080] =	vst v63  }
0x15: {  	_ =	swait.ge [sflag:s11], $0x40  }
0x16: {  	[sflag:s11] =	ssyncset.done $0x0  }
0x17: {  	[sflag:s11] =	ssyncadd.s32 $0xFFFFFFC0  }
0x18: {  	v3 =	vld [tilespmem:$0x0];
	_ =	sdelay $0x4  }
0x19: {  	v4 =	vshll.u32 v3, $0x3  }
0x1a: {  	v3 =	vand.u32 $0x7, v3;
	v4 =	vand.u32 $0xFFFFFFC0, v4  }
0x1b: {  	v3 =	vor.u32 v3, v4  }
0x1c: {  	v4 =	vperm.xlane v3, v0;
	_ =	sdelay $0x1  }
0x1d: {  	v4 =	vadd.s32 v1, v4;
	_ =	sdelay $0x4  }
0x1e: {  	[tilespmem:s12], [sflag:$0x1] =	stream.indirect_vreg.gather [hbm4b:s4+s2], $0x80, v4, vm0, $0xb8;
	[tilespmem:$0x10080] =	vst v63  }
0x1f: {  	s24 =	smov.u32 s25;
	s25 =	simm.s32 $0x880;
	v3 =	vperm.xlane v3, v2  }
0x20: {  	[tilespmem:s25], [sflag:$0x1] =	stream.indirect_vreg.gather [hbm4b:s7+s2], $0x80, v4, vm0, $0xb8;
	[tilespmem:$0x10080] =	vst v63  }
0x21: {  	v3 =	vadd.s32 v1, v3;
	s25 =	simm.s32 $0x1080  }
0x22: {  	[tilespmem:s25], [sflag:$0x1] =	stream.indirect_vreg.gather [hbm4b:s8+s2], $0x80, v4, vm0, $0xb8;
	[tilespmem:$0x10080] =	vst v63  }
0x23: {  	s25 =	simm.s32 $0x1880  }
0x24: {  	[tilespmem:s25], [sflag:$0x1] =	stream.indirect_vreg.gather [hbm4b:s9+s2], $0x80, v4, vm0, $0xb8;
	[tilespmem:$0x10080] =	vst v63  }
0x25: {  	s25 =	simm.s32 $0x2080  }
0x26: {  	[tilespmem:s25], [sflag:$0x1] =	stream.indirect_vreg.gather [hbm4b:s4+s2], $0x80, v3, vm0, $0xb8;
	[tilespmem:$0x10080] =	vst v63  }
0x27: {  	s25 =	simm.s32 $0x2880  }
0x28: {  	[tilespmem:s25], [sflag:$0x1] =	stream.indirect_vreg.gather [hbm4b:s7+s2], $0x80, v3, vm0, $0xb8;
	[tilespmem:$0x10080] =	vst v63  }
0x29: {  	s25 =	simm.s32 $0x3080  }
0x2a: {  	[tilespmem:s25], [sflag:$0x1] =	stream.indirect_vreg.gather [hbm4b:s8+s2], $0x80, v3, vm0, $0xb8;
	[tilespmem:$0x10080] =	vst v63  }
0x2b: {  	s25 =	simm.s32 $0x3880  }
0x2c: {  	[tilespmem:s25], [sflag:$0x1] =	stream.indirect_vreg.gather [hbm4b:s9+s2], $0x80, v3, vm0, $0xb8;
	[tilespmem:$0x10080] =	vst v63  }
0x2d: {  	v3 =	vld [tilespmem:$0x10];
	_ =	sdelay $0x4  }
0x2e: {  	v61 =	vshll.u32 v3, $0x3  }
0x2f: {  	v3 =	vand.u32 $0x7, v3;
	v4 =	vand.u32 $0xFFFFFFC0, v61  }
0x30: {  	v3 =	vor.u32 v3, v4  }
0x31: {  	v4 =	vperm.xlane v3, v0;
	_ =	sdelay $0x1  }
0x32: {  	v4 =	vadd.s32 v1, v4;
	_ =	sdelay $0x3  }
0x33: {  	s25 =	simm.s32 $0x4080  }
0x34: {  	[tilespmem:s25], [sflag:$0x1] =	stream.indirect_vreg.gather [hbm4b:s4+s2], $0x80, v4, vm0, $0xb8;
	[tilespmem:$0x10080] =	vst v63  }
0x35: {  	v3 =	vperm.xlane v3, v2;
	s25 =	simm.s32 $0x4880  }
0x36: {  	[tilespmem:s25], [sflag:$0x1] =	stream.indirect_vreg.gather [hbm4b:s7+s2], $0x80, v4, vm0, $0xb8;
	[tilespmem:$0x10080] =	vst v63  }
0x37: {  	v3 =	vadd.s32 v1, v3;
	s25 =	simm.s32 $0x5080  }
0x38: {  	[tilespmem:s25], [sflag:$0x1] =	stream.indirect_vreg.gather [hbm4b:s8+s2], $0x80, v4, vm0, $0xb8;
	[tilespmem:$0x10080] =	vst v63  }
0x39: {  	s25 =	simm.s32 $0x5880  }
0x3a: {  	[tilespmem:s25], [sflag:$0x1] =	stream.indirect_vreg.gather [hbm4b:s9+s2], $0x80, v4, vm0, $0xb8;
	[tilespmem:$0x10080] =	vst v63  }
0x3b: {  	s25 =	simm.s32 $0x6080  }
0x3c: {  	[tilespmem:s25], [sflag:$0x1] =	stream.indirect_vreg.gather [hbm4b:s4+s2], $0x80, v3, vm0, $0xb8;
	[tilespmem:$0x10080] =	vst v63  }
0x3d: {  	s25 =	simm.s32 $0x6880  }
0x3e: {  	[tilespmem:s25], [sflag:$0x1] =	stream.indirect_vreg.gather [hbm4b:s7+s2], $0x80, v3, vm0, $0xb8;
	[tilespmem:$0x10080] =	vst v63  }
0x3f: {  	_ = 	snop  }
0x40: {  	[tilespmem:s26], [sflag:$0x1] =	stream.indirect_vreg.gather [hbm4b:s8+s2], $0x80, v3, vm0, $0xb8;
	[tilespmem:$0x10080] =	vst v63  }
0x41: {  	_ = 	snop  }
0x42: {  	[tilespmem:s28], [sflag:$0x1] =	stream.indirect_vreg.gather [hbm4b:s9+s2], $0x80, v3, vm0, $0xb8;
	[tilespmem:$0x10080] =	vst v63  }
0x43: {  	v3 =	vld [tilespmem:$0x20];
	_ =	sdelay $0x4  }
0x44: {  	v62 =	vshll.u32 v3, $0x3  }
0x45: {  	v3 =	vand.u32 $0x7, v3;
	v4 =	vand.u32 $0xFFFFFFC0, v62  }
0x46: {  	v3 =	vor.u32 v3, v4  }
0x47: {  	v4 =	vperm.xlane v3, v0;
	_ =	sdelay $0x1  }
0x48: {  	v4 =	vadd.s32 v1, v4;
	_ =	sdelay $0x4  }
0x49: {  	[tilespmem:s29], [sflag:$0x1] =	stream.indirect_vreg.gather [hbm4b:s4+s2], $0x80, v4, vm0, $0xb8;
	[tilespmem:$0x10080] =	vst v63  }
0x4a: {  	v3 =	vperm.xlane v3, v2  }
0x4b: {  	[tilespmem:s30], [sflag:$0x1] =	stream.indirect_vreg.gather [hbm4b:s7+s2], $0x80, v4, vm0, $0xb8;
	[tilespmem:$0x10080] =	vst v63  }
0x4c: {  	v3 =	vadd.s32 v1, v3  }
0x4d: {  	[tilespmem:s31], [sflag:$0x1] =	stream.indirect_vreg.gather [hbm4b:s8+s2], $0x80, v4, vm0, $0xb8;
	[tilespmem:$0x10080] =	vst v63  }
0x4e: {  	_ = 	snop  }
0x4f: {  	[tilespmem:s0], [sflag:$0x1] =	stream.indirect_vreg.gather [hbm4b:s9+s2], $0x80, v4, vm0, $0xb8;
	[tilespmem:$0x10080] =	vst v63  }
0x50: {  	_ = 	snop  }
0x51: {  	[tilespmem:s3], [sflag:$0x1] =	stream.indirect_vreg.gather [hbm4b:s4+s2], $0x80, v3, vm0, $0xb8;
	[tilespmem:$0x10080] =	vst v63  }
0x52: {  	_ = 	snop  }
0x53: {  	[tilespmem:s10], [sflag:$0x1] =	stream.indirect_vreg.gather [hbm4b:s7+s2], $0x80, v3, vm0, $0xb8;
	[tilespmem:$0x10080] =	vst v63  }
0x54: {  	_ = 	snop  }
0x55: {  	[tilespmem:s1], [sflag:$0x1] =	stream.indirect_vreg.gather [hbm4b:s8+s2], $0x80, v3, vm0, $0xb8;
	[tilespmem:$0x10080] =	vst v63  }
0x56: {  	_ = 	snop  }
0x57: {  	[tilespmem:s13], [sflag:$0x1] =	stream.indirect_vreg.gather [hbm4b:s9+s2], $0x80, v3, vm0, $0xb8;
	[tilespmem:$0x10080] =	vst v63  }
0x58: {  	v3 =	vld [tilespmem:$0x30];
	_ =	sdelay $0x4  }
0x59: {  	v63 =	vshll.u32 v3, $0x3  }
0x5a: {  	v3 =	vand.u32 $0x7, v3;
	v4 =	vand.u32 $0xFFFFFFC0, v63  }
0x5b: {  	v3 =	vor.u32 v3, v4  }
0x5c: {  	v4 =	vperm.xlane v3, v0;
	_ =	sdelay $0x1  }
0x5d: {  	v4 =	vadd.s32 v1, v4;
	_ =	sdelay $0x4  }
0x5e: {  	[tilespmem:s14], [sflag:$0x1] =	stream.indirect_vreg.gather [hbm4b:s4+s2], $0x80, v4, vm0, $0xb8;
	[tilespmem:$0x10080] =	vst v63  }
0x5f: {  	v3 =	vperm.xlane v3, v2  }
0x60: {  	[tilespmem:s15], [sflag:$0x1] =	stream.indirect_vreg.gather [hbm4b:s7+s2], $0x80, v4, vm0, $0xb8;
	[tilespmem:$0x10080] =	vst v63  }
0x61: {  	v3 =	vadd.s32 v1, v3  }
0x62: {  	[tilespmem:s16], [sflag:$0x1] =	stream.indirect_vreg.gather [hbm4b:s8+s2], $0x80, v4, vm0, $0xb8;
	[tilespmem:$0x10080] =	vst v63  }
0x63: {  	_ = 	snop  }
0x64: {  	[tilespmem:s17], [sflag:$0x1] =	stream.indirect_vreg.gather [hbm4b:s9+s2], $0x80, v4, vm0, $0xb8;
	[tilespmem:$0x10080] =	vst v63  }
0x65: {  	_ = 	snop  }
0x66: {  	[tilespmem:s18], [sflag:$0x1] =	stream.indirect_vreg.gather [hbm4b:s4+s2], $0x80, v3, vm0, $0xb8;
	[tilespmem:$0x10080] =	vst v63  }
0x67: {  	_ = 	snop  }
0x68: {  	[tilespmem:s19], [sflag:$0x1] =	stream.indirect_vreg.gather [hbm4b:s7+s2], $0x80, v3, vm0, $0xb8;
	[tilespmem:$0x10080] =	vst v63  }
0x69: {  	_ = 	snop  }
0x6a: {  	[tilespmem:s20], [sflag:$0x1] =	stream.indirect_vreg.gather [hbm4b:s8+s2], $0x80, v3, vm0, $0xb8;
	[tilespmem:$0x10080] =	vst v63  }
0x6b: {  	_ = 	snop  }
0x6c: {  	[tilespmem:s21], [sflag:$0x1] =	stream.indirect_vreg.gather [hbm4b:s9+s2], $0x80, v3, vm0, $0xb8;
	[tilespmem:$0x10080] =	vst v63  }
0x6d: {  	_ =	swait.ge [sflag:s22], $0x10000  }
0x6e: {  	p1 =	por p0, p0;
	s23 =	sshll.u32 s23, $0x7;
	[sflag:s22] =	ssyncset.done $0x0  }
.Ltmp0:
0x6f: {  	s23 =	sadd.s32 s24, s23;
	[sflag:s22] =	ssyncadd.s32 $0xFFFF0000;
	(pc) =	sbr.rel @p1 .LBB2_2-.Ltmp0, $4  }
0x70: {  	[hbm4b:s23+s2] =	stream.linear.scatter [tilespmem:s12], [sflag:$0x2], $0x10000, $0x38;
	[tilespmem:$0x10080] =	vst v63  }
0x71: {  	_ =	swait.ge [sflag:s11], $0x10000  }
0x72: {  	[sflag:s11] =	ssyncset.done $0x0  }
0x73: {  	p0 =	por $0x0, $0x0;
	s23 =	simm.s32 $0x40;
	[sflag:s11] =	ssyncadd.s32 $0xFFFF0000  }
0x74: {  	s25 =	rddreg [dreg:$0x4]  }
0x75: {  	s23 =	rddreg [dreg:$0x3];
	s25 =	sadd.s32 $0x1, s25  }
0x76: {  	p0 =	sne.s32 s25, s23  }
.Ltmp1:
0x77: {  	_ = 	snop;
	(pc) =	sbr.rel @p0 .LBB2_1-.Ltmp1, $1  }
0x78: {  	_ =	sdelay $0x3  }
0x79: {  	_ =	sfence.sel $0x180000  }
0x7a: {  	[bflag:$0x0] =	sbarrier.arrive $0xFFFF  }
0x7b: {  	_ =	strace $0x9000004A  }
0x7c: {  	s0 =	stileid.u32;
	[bflag:$0x2] =	sbarrier.arrive $0xFFFF  }
0x7d: {  	p0 =	sne.s32 s0, $0x0;
	s0 =	rddreg [dreg:$0x2]  }
0x7e: {  	s0 =	sadd.s32 @!p0 $0x100000, s0  }
0x7f: {  	[sflag:s0] =	ssyncadd.tile.s32 @!p0 $0x1;
	_ =	shalt  }
.Lfunc_end2:
_tile_overlayer_lowered:
.L_overlay_start_2:
0x80: {  	(tag) =	ssettag $0x2  }
0x81: {  	s0 =	rddreg [dreg:$0x0];
	s2 =	stileid.u32  }
0x82: {  	s1 =	rddreg [dreg:$0x1];
	p0 =	sne.s32 s2, $0x0  }
0x83: {  	s3 =	rddreg [dreg:$0x2];
	[bflag:$0x3] =	sbarrier.arrive $0xFFFF;
	s2 =	simm.s32 @!p0 $0x1C02  }
0x84: {  	[timem:s3], [sflag:s2] =	dma.local @!p0 [hbm:s0], s1  }
0x85: {  	s0 =	simm.s32 @!p0 $0x2  }
0x86: {  	_ =	swait.ge @!p0 [sflag:s0], s1  }
0x87: {  	s1 =	ssub.s32 @!p0 $0x0, s1;
	[sflag:s0] =	ssyncset.done @!p0 $0x0  }
0x88: {  	[sflag:s0] =	ssyncadd.s32 @!p0 s1  }
0x89: {  	[bflag:$0x3] =	sbarrier.arrive $0xFFFF  }
0x8a: {  	_ =	shalt  }

</sc_bundles>
